<compile_context>
chip_gen: v7x
topology: tpu7x:2x2x1
jax: 0.10.2.dev20260603
libtpu: 0.0.44.dev20260713+nightly
codegen_flags: <defaults>
</compile_context>

<pallas_src>
import jax
import jax.numpy as jnp
from jax import lax
from jax.experimental import pallas as pl
from jax.experimental.pallas import tpu as pltpu
from jax.experimental.pallas import tpu_sc as plsc

MAX_DEGREE = 512
NODE_DIM = 128
NUM_NODES = 100000
NUM_EDGES = 1600000

NC = 2
NS = 16
LANES = 128

EROWS = NUM_EDGES // LANES
ROWS_MAIN = 784
ROWS_LAST = 736
TAIL_ROWS = EROWS - 15 * ROWS_MAIN - ROWS_LAST

SCATTER_UNROLL = 16
CHUNKS_MAIN = ROWS_MAIN // SCATTER_UNROLL
CHUNKS_LAST = ROWS_LAST // SCATTER_UNROLL
LAST_EXTRA = TAIL_ROWS

BLK = 4000
GRID = NUM_NODES // BLK
NPAD = 256000
CHUNK = NPAD // NS
ZBUF = 3200


def _bincount_body(pos_hbm, neg_hbm, pos_tail, neg_tail, degs_hbm,
                   counts_sp, ebuf, ones, cbuf, sem_e, sem_s):
    c = lax.axis_index("c")
    s = lax.axis_index("s")
    row_lo = s * ROWS_MAIN

    def _edge_dma(src_hbm, tail_hbm):
        @pl.when(s < NS - 1)
        def _():
            pltpu.async_copy(src_hbm.at[0, pl.ds(row_lo, ROWS_MAIN)],
                             ebuf, sem_e)

        @pl.when(s == NS - 1)
        def _():
            pltpu.async_copy(src_hbm.at[0, pl.ds(row_lo, ROWS_LAST)],
                             ebuf.at[pl.ds(0, ROWS_LAST)], sem_e)
            pltpu.async_copy(tail_hbm,
                             ebuf.at[pl.ds(ROWS_LAST, TAIL_ROWS)], sem_e)

    @pl.when(c == 0)
    def _():
        _edge_dma(pos_hbm, pos_tail)

    @pl.when(c == 1)
    def _():
        _edge_dma(neg_hbm, neg_tail)

    def _zero(i, _):
        cbuf[pl.ds(16 * i, 16)] = jnp.zeros((16,), jnp.int32)
        return 0
    lax.fori_loop(0, ZBUF // 16, _zero, 0)

    def _zcopy(k, _):
        pltpu.sync_copy(cbuf, counts_sp.at[pl.ds(s * CHUNK + k * ZBUF, ZBUF)])
        return 0
    lax.fori_loop(0, CHUNK // ZBUF, _zcopy, 0)

    def _one(i, _):
        ones[pl.ds(16 * i, 16)] = jnp.ones((16,), jnp.int32)
        return 0
    lax.fori_loop(0, LANES // 16, _one, 0)

    plsc.subcore_barrier()

    @pl.when(s < NS - 1)
    def _():
        pltpu.make_async_copy(pos_hbm.at[0, pl.ds(row_lo, ROWS_MAIN)],
                              ebuf, sem_e).wait()

    @pl.when(s == NS - 1)
    def _():
        pltpu.make_async_copy(pos_hbm.at[0, pl.ds(row_lo, ROWS_LAST)],
                              ebuf.at[pl.ds(0, ROWS_LAST)], sem_e).wait()
        pltpu.make_async_copy(pos_tail,
                              ebuf.at[pl.ds(ROWS_LAST, TAIL_ROWS)],
                              sem_e).wait()

    def _drain(k):
        for _ in range(k):
            pltpu.make_async_copy(ones, counts_sp.at[ebuf.at[0]], sem_s).wait()

    def _chunk(b, _):
        @pl.when(b > 0)
        def _():
            _drain(SCATTER_UNROLL)
        for j in range(SCATTER_UNROLL):
            pltpu.async_copy(ones,
                             counts_sp.at[ebuf.at[SCATTER_UNROLL * b + j]],
                             sem_s, add=True)
        return 0
    nchunks = jnp.where(s < NS - 1, CHUNKS_MAIN, CHUNKS_LAST)
    lax.fori_loop(0, nchunks, _chunk, 0)
    _drain(SCATTER_UNROLL)

    @pl.when(s == NS - 1)
    def _():
        for j in range(LAST_EXTRA):
            pltpu.async_copy(
                ones,
                counts_sp.at[ebuf.at[CHUNKS_LAST * SCATTER_UNROLL + j]],
                sem_s, add=True)
        _drain(LAST_EXTRA)

    plsc.subcore_barrier()

    pltpu.sync_copy(counts_sp.at[pl.ds(s * CHUNK, CHUNK)],
                    degs_hbm.at[c, 0, pl.ds(s * CHUNK, CHUNK)])


def _bincount_sc(pos3, neg3, pos_tail, neg_tail):
    mesh = plsc.VectorSubcoreMesh(core_axis_name="c", subcore_axis_name="s",
                                  num_cores=NC, num_subcores=NS)
    return pl.kernel(
        _bincount_body,
        out_type=jax.ShapeDtypeStruct((2, 1, NPAD), jnp.int32),
        mesh=mesh,
        scratch_types=[
            pltpu.VMEM_SHARED((NPAD,), jnp.int32),
            pltpu.VMEM((ROWS_MAIN, LANES), jnp.int32),
            pltpu.VMEM((LANES,), jnp.int32),
            pltpu.VMEM((ZBUF,), jnp.int32),
            pltpu.SemaphoreType.DMA,
            pltpu.SemaphoreType.DMA,
        ],
    )(pos3, neg3, pos_tail, neg_tail)


def _gather_add_body(x_ref, dp_ref, dn_ref, zp_ref, zn_ref, o_ref):
    dp = jnp.minimum(dp_ref[0, 0], MAX_DEGREE - 1)
    dn = jnp.minimum(dn_ref[0, 0], MAX_DEGREE - 1)
    dpT = jnp.reshape(dp, (BLK, 1))
    dnT = jnp.reshape(dn, (BLK, 1))
    iota = lax.broadcasted_iota(jnp.int32, (BLK, MAX_DEGREE), 1)
    ohp = (iota == dpT).astype(jnp.bfloat16)
    ohn = (iota == dnT).astype(jnp.bfloat16)
    dims = (((1,), (0,)), ((), ()))
    zp = lax.dot_general(ohp, zp_ref[...], dims,
                         preferred_element_type=jnp.float32)
    zn = lax.dot_general(ohn, zn_ref[...], dims,
                         preferred_element_type=jnp.float32)
    o_ref[...] = x_ref[...] + zp + zn


def _gather_add_tc(x, degs4, z_pos, z_neg):
    return pl.pallas_call(
        _gather_add_body,
        grid=(GRID,),
        in_specs=[
            pl.BlockSpec((BLK, NODE_DIM), lambda i: (i, 0)),
            pl.BlockSpec((1, 1, 1, BLK), lambda i: (0, i, 0, 0)),
            pl.BlockSpec((1, 1, 1, BLK), lambda i: (1, i, 0, 0)),
            pl.BlockSpec((MAX_DEGREE, NODE_DIM), lambda i: (0, 0)),
            pl.BlockSpec((MAX_DEGREE, NODE_DIM), lambda i: (0, 0)),
        ],
        out_specs=pl.BlockSpec((BLK, NODE_DIM), lambda i: (i, 0)),
        out_shape=jax.ShapeDtypeStruct((NUM_NODES, NODE_DIM), jnp.float32),
    )(x, degs4, degs4,
      z_pos.astype(jnp.bfloat16), z_neg.astype(jnp.bfloat16))


def kernel(x, pos_edge_index, neg_edge_index, z_pos, z_neg):
    pos3 = pos_edge_index.reshape(2, EROWS, LANES)
    neg3 = neg_edge_index.reshape(2, EROWS, LANES)
    ntail = TAIL_ROWS * LANES
    pos_tail = pos_edge_index[0, -ntail:].reshape(TAIL_ROWS, LANES)
    neg_tail = neg_edge_index[0, -ntail:].reshape(TAIL_ROWS, LANES)
    degs = _bincount_sc(pos3, neg3, pos_tail, neg_tail)
    degs4 = degs.reshape(2, NPAD // BLK, 1, BLK)
    return _gather_add_tc(x, degs4, z_pos, z_neg)

# --- scband reference (transcript-rebuilt; emitter-appended) ---
"""Pipeline reference for scband-centrality-encoding-28484223107286 (READ-ONLY COPY).

The authoritative reference and input builder live on the scoring server;
editing this copy changes nothing except your own understanding.
"""

import jax, jax.numpy as jnp
import numpy as np

MAX_DEGREE = 512
NODE_DIM = 128
NUM_NODES = 100000
NUM_EDGES = 1600000


def setup_inputs(seed: int = 0) -> dict:
    key = jax.random.key(seed)
    k1, k2, k3, k4, k5 = jax.random.split(key, 5)
    x = jax.random.normal(k1, (NUM_NODES, NODE_DIM), dtype=jnp.float32)
    pos_edge_index = jax.random.randint(k2, (2, NUM_EDGES), 0, NUM_NODES, dtype=jnp.int32)
    neg_edge_index = jax.random.randint(k3, (2, NUM_EDGES), 0, NUM_NODES, dtype=jnp.int32)
    z_pos = jax.random.normal(k4, (MAX_DEGREE, NODE_DIM), dtype=jnp.float32)
    z_neg = jax.random.normal(k5, (MAX_DEGREE, NODE_DIM), dtype=jnp.float32)
    return {"x": x, "pos_edge_index": pos_edge_index, "neg_edge_index": neg_edge_index, "z_pos": z_pos, "z_neg": z_neg}


def reference(x, pos_edge_index, neg_edge_index, z_pos, z_neg):
    num_nodes = x.shape[0]
    positive_degrees = jnp.bincount(pos_edge_index[0], length=num_nodes)
    negative_degrees = jnp.bincount(neg_edge_index[0], length=num_nodes)
    positive_degrees = jnp.minimum(positive_degrees, MAX_DEGREE - 1)
    negative_degrees = jnp.minimum(negative_degrees, MAX_DEGREE - 1)
    out = x + z_pos[positive_degrees] + z_neg[negative_degrees]
    return out

if __name__ == "__main__":
    import jax
    _d = setup_inputs()
    print(jax.jit(kernel)(*tuple(_d.values())))

</pallas_src>

<mosaic_0001>
#map = affine_map<(d0, d1) -> (0, 0, 0)>
#map1 = affine_map<(d0, d1) -> (0, 0)>
module attributes {stable_mosaic.version = 14 : i64} {
  func.func @_bincount_body(%arg0: i32, %arg1: i32, %arg2: memref<2x12500x128xi32, #tpu.memory_space<hbm>>, %arg3: memref<2x12500x128xi32, #tpu.memory_space<hbm>>, %arg4: memref<4x128xi32, #tpu.memory_space<hbm>>, %arg5: memref<4x128xi32, #tpu.memory_space<hbm>>, %arg6: memref<2x1x256000xi32, #tpu.memory_space<hbm>>, %arg7: memref<256000xi32, #tpu.memory_space<vmem_shared>>, %arg8: memref<784x128xi32, #tpu.memory_space<vmem>>, %arg9: memref<128xi32, #tpu.memory_space<vmem>>, %arg10: memref<3200xi32, #tpu.memory_space<vmem>>, %arg11: memref<!tpu.dma_semaphore, #tpu.memory_space<semaphore_mem>>, %arg12: memref<!tpu.dma_semaphore, #tpu.memory_space<semaphore_mem>>) attributes {dimension_semantics = [#tpu.dimension_semantics<core_parallel>, #tpu.dimension_semantics<subcore_parallel>], iteration_bounds = array<i64: 2, 16>, scalar_prefetch = 0 : i64, scratch_operands = 6 : i64, tpu.core_type = #tpu.core_type<sc_vector_subcore>, window_params = [{transform_indices = #map}, {transform_indices = #map}, {transform_indices = #map1}, {transform_indices = #map1}, {transform_indices = #map}]} {
    %mul3A = arith.constant 784 : i32
    %mul3A_0 = arith.muli %arg1, %mul3A : i32
    %eq3A = arith.constant 0 : i32
    %eq3A_1 = arith.cmpi eq, %arg0, %eq3A : i32
    %convert_element_type3A = arith.extui %eq3A_1 : i1 to i32
    %cond3A = arith.constant 0 : i32
    %cond3A_2 = arith.cmpi ne, %convert_element_type3A, %cond3A : i32
    scf.if %cond3A_2 {
      %lt3A_156 = arith.constant 15 : i32
      %lt3A_157 = arith.cmpi slt, %arg1, %lt3A_156 : i32
      %convert_element_type3A_158 = arith.extui %lt3A_157 : i1 to i32
      %cond3A_159 = arith.constant 0 : i32
      %cond3A_160 = arith.cmpi ne, %convert_element_type3A_158, %cond3A_159 : i32
      scf.if %cond3A_160 {
        %dma_start3A = arith.constant 0 : i32
        %dma_start3A_166 = arith.constant 0 : i32
        %dma_start3A_167 = tpu.memref_slice %arg2[%dma_start3A, %mul3A_0, %dma_start3A_166] : memref<2x12500x128xi32, #tpu.memory_space<hbm>> -> memref<1x784x128xi32, #tpu.memory_space<hbm>>
        %dma_start3A_168 = tpu.memref_squeeze %dma_start3A_167 : memref<1x784x128xi32, #tpu.memory_space<hbm>> -> memref<784x128xi32, #tpu.memory_space<hbm>>
        %dma_start3A_169 = arith.constant 0 : i32
        %dma_start3A_170 = tpu.memref_slice %arg2[%dma_start3A, %mul3A_0, %dma_start3A_169] : memref<2x12500x128xi32, #tpu.memory_space<hbm>> -> memref<1x784x128xi32, #tpu.memory_space<hbm>>
        %dma_start3A_171 = tpu.memref_squeeze %dma_start3A_170 : memref<1x784x128xi32, #tpu.memory_space<hbm>> -> memref<784x128xi32, #tpu.memory_space<hbm>>
        tpu.enqueue_dma source(%dma_start3A_171 : memref<784x128xi32, #tpu.memory_space<hbm>>) target(%arg8 : memref<784x128xi32, #tpu.memory_space<vmem>>) target_semaphore(%arg11 : memref<!tpu.dma_semaphore, #tpu.memory_space<semaphore_mem>>)
      } else {
      }
      %eq3A_161 = arith.constant 15 : i32
      %eq3A_162 = arith.cmpi eq, %arg1, %eq3A_161 : i32
      %convert_element_type3A_163 = arith.extui %eq3A_162 : i1 to i32
      %cond3A_164 = arith.constant 0 : i32
      %cond3A_165 = arith.cmpi ne, %convert_element_type3A_163, %cond3A_164 : i32
      scf.if %cond3A_165 {
        %dma_start3A = arith.constant 0 : i32
        %dma_start3A_166 = arith.constant 0 : i32
        %dma_start3A_167 = arith.constant 0 : i32
        %dma_start3A_168 = tpu.memref_slice %arg8[%dma_start3A_166, %dma_start3A_167] : memref<784x128xi32, #tpu.memory_space<vmem>> -> memref<736x128xi32, #tpu.memory_space<vmem>>
        %dma_start3A_169 = arith.constant 0 : i32
        %dma_start3A_170 = tpu.memref_slice %arg2[%dma_start3A, %mul3A_0, %dma_start3A_169] : memref<2x12500x128xi32, #tpu.memory_space<hbm>> -> memref<1x736x128xi32, #tpu.memory_space<hbm>>
        %dma_start3A_171 = tpu.memref_squeeze %dma_start3A_170 : memref<1x736x128xi32, #tpu.memory_space<hbm>> -> memref<736x128xi32, #tpu.memory_space<hbm>>
        %dma_start3A_172 = arith.constant 0 : i32
        %dma_start3A_173 = arith.constant 0 : i32
        %dma_start3A_174 = tpu.memref_slice %arg8[%dma_start3A_172, %dma_start3A_173] : memref<784x128xi32, #tpu.memory_space<vmem>> -> memref<736x128xi32, #tpu.memory_space<vmem>>
        %dma_start3A_175 = arith.constant 0 : i32
        %dma_start3A_176 = tpu.memref_slice %arg2[%dma_start3A, %mul3A_0, %dma_start3A_175] : memref<2x12500x128xi32, #tpu.memory_space<hbm>> -> memref<1x736x128xi32, #tpu.memory_space<hbm>>
        %dma_start3A_177 = tpu.memref_squeeze %dma_start3A_176 : memref<1x736x128xi32, #tpu.memory_space<hbm>> -> memref<736x128xi32, #tpu.memory_space<hbm>>
        tpu.enqueue_dma source(%dma_start3A_177 : memref<736x128xi32, #tpu.memory_space<hbm>>) target(%dma_start3A_174 : memref<736x128xi32, #tpu.memory_space<vmem>>) target_semaphore(%arg11 : memref<!tpu.dma_semaphore, #tpu.memory_space<semaphore_mem>>)
        %dma_start3A_178 = arith.constant 736 : i32
        %dma_start3A_179 = arith.constant 0 : i32
        %dma_start3A_180 = tpu.memref_slice %arg8[%dma_start3A_178, %dma_start3A_179] : memref<784x128xi32, #tpu.memory_space<vmem>> -> memref<4x128xi32, #tpu.memory_space<vmem>>
        %dma_start3A_181 = arith.constant 736 : i32
        %dma_start3A_182 = arith.constant 0 : i32
        %dma_start3A_183 = tpu.memref_slice %arg8[%dma_start3A_181, %dma_start3A_182] : memref<784x128xi32, #tpu.memory_space<vmem>> -> memref<4x128xi32, #tpu.memory_space<vmem>>
        tpu.enqueue_dma source(%arg4 : memref<4x128xi32, #tpu.memory_space<hbm>>) target(%dma_start3A_183 : memref<4x128xi32, #tpu.memory_space<vmem>>) target_semaphore(%arg11 : memref<!tpu.dma_semaphore, #tpu.memory_space<semaphore_mem>>)
      } else {
      }
    } else {
    }
    %eq3A_3 = arith.constant 1 : i32
    %eq3A_4 = arith.cmpi eq, %arg0, %eq3A_3 : i32
    %convert_element_type3A_5 = arith.extui %eq3A_4 : i1 to i32
    %cond3A_6 = arith.constant 0 : i32
    %cond3A_7 = arith.cmpi ne, %convert_element_type3A_5, %cond3A_6 : i32
    scf.if %cond3A_7 {
      %lt3A_156 = arith.constant 15 : i32
      %lt3A_157 = arith.cmpi slt, %arg1, %lt3A_156 : i32
      %convert_element_type3A_158 = arith.extui %lt3A_157 : i1 to i32
      %cond3A_159 = arith.constant 0 : i32
      %cond3A_160 = arith.cmpi ne, %convert_element_type3A_158, %cond3A_159 : i32
      scf.if %cond3A_160 {
        %dma_start3A = arith.constant 0 : i32
        %dma_start3A_166 = arith.constant 0 : i32
        %dma_start3A_167 = tpu.memref_slice %arg3[%dma_start3A, %mul3A_0, %dma_start3A_166] : memref<2x12500x128xi32, #tpu.memory_space<hbm>> -> memref<1x784x128xi32, #tpu.memory_space<hbm>>
        %dma_start3A_168 = tpu.memref_squeeze %dma_start3A_167 : memref<1x784x128xi32, #tpu.memory_space<hbm>> -> memref<784x128xi32, #tpu.memory_space<hbm>>
        %dma_start3A_169 = arith.constant 0 : i32
        %dma_start3A_170 = tpu.memref_slice %arg3[%dma_start3A, %mul3A_0, %dma_start3A_169] : memref<2x12500x128xi32, #tpu.memory_space<hbm>> -> memref<1x784x128xi32, #tpu.memory_space<hbm>>
        %dma_start3A_171 = tpu.memref_squeeze %dma_start3A_170 : memref<1x784x128xi32, #tpu.memory_space<hbm>> -> memref<784x128xi32, #tpu.memory_space<hbm>>
        tpu.enqueue_dma source(%dma_start3A_171 : memref<784x128xi32, #tpu.memory_space<hbm>>) target(%arg8 : memref<784x128xi32, #tpu.memory_space<vmem>>) target_semaphore(%arg11 : memref<!tpu.dma_semaphore, #tpu.memory_space<semaphore_mem>>)
      } else {
      }
      %eq3A_161 = arith.constant 15 : i32
      %eq3A_162 = arith.cmpi eq, %arg1, %eq3A_161 : i32
      %convert_element_type3A_163 = arith.extui %eq3A_162 : i1 to i32
      %cond3A_164 = arith.constant 0 : i32
      %cond3A_165 = arith.cmpi ne, %convert_element_type3A_163, %cond3A_164 : i32
      scf.if %cond3A_165 {
        %dma_start3A = arith.constant 0 : i32
        %dma_start3A_166 = arith.constant 0 : i32
        %dma_start3A_167 = arith.constant 0 : i32
        %dma_start3A_168 = tpu.memref_slice %arg8[%dma_start3A_166, %dma_start3A_167] : memref<784x128xi32, #tpu.memory_space<vmem>> -> memref<736x128xi32, #tpu.memory_space<vmem>>
        %dma_start3A_169 = arith.constant 0 : i32
        %dma_start3A_170 = tpu.memref_slice %arg3[%dma_start3A, %mul3A_0, %dma_start3A_169] : memref<2x12500x128xi32, #tpu.memory_space<hbm>> -> memref<1x736x128xi32, #tpu.memory_space<hbm>>
        %dma_start3A_171 = tpu.memref_squeeze %dma_start3A_170 : memref<1x736x128xi32, #tpu.memory_space<hbm>> -> memref<736x128xi32, #tpu.memory_space<hbm>>
        %dma_start3A_172 = arith.constant 0 : i32
        %dma_start3A_173 = arith.constant 0 : i32
        %dma_start3A_174 = tpu.memref_slice %arg8[%dma_start3A_172, %dma_start3A_173] : memref<784x128xi32, #tpu.memory_space<vmem>> -> memref<736x128xi32, #tpu.memory_space<vmem>>
        %dma_start3A_175 = arith.constant 0 : i32
        %dma_start3A_176 = tpu.memref_slice %arg3[%dma_start3A, %mul3A_0, %dma_start3A_175] : memref<2x12500x128xi32, #tpu.memory_space<hbm>> -> memref<1x736x128xi32, #tpu.memory_space<hbm>>
        %dma_start3A_177 = tpu.memref_squeeze %dma_start3A_176 : memref<1x736x128xi32, #tpu.memory_space<hbm>> -> memref<736x128xi32, #tpu.memory_space<hbm>>
        tpu.enqueue_dma source(%dma_start3A_177 : memref<736x128xi32, #tpu.memory_space<hbm>>) target(%dma_start3A_174 : memref<736x128xi32, #tpu.memory_space<vmem>>) target_semaphore(%arg11 : memref<!tpu.dma_semaphore, #tpu.memory_space<semaphore_mem>>)
        %dma_start3A_178 = arith.constant 736 : i32
        %dma_start3A_179 = arith.constant 0 : i32
        %dma_start3A_180 = tpu.memref_slice %arg8[%dma_start3A_178, %dma_start3A_179] : memref<784x128xi32, #tpu.memory_space<vmem>> -> memref<4x128xi32, #tpu.memory_space<vmem>>
        %dma_start3A_181 = arith.constant 736 : i32
        %dma_start3A_182 = arith.constant 0 : i32
        %dma_start3A_183 = tpu.memref_slice %arg8[%dma_start3A_181, %dma_start3A_182] : memref<784x128xi32, #tpu.memory_space<vmem>> -> memref<4x128xi32, #tpu.memory_space<vmem>>
        tpu.enqueue_dma source(%arg5 : memref<4x128xi32, #tpu.memory_space<hbm>>) target(%dma_start3A_183 : memref<4x128xi32, #tpu.memory_space<vmem>>) target_semaphore(%arg11 : memref<!tpu.dma_semaphore, #tpu.memory_space<semaphore_mem>>)
      } else {
      }
    } else {
    }
    %scan3A = arith.constant 0 : i32
    %scan3A_8 = arith.constant 0 : i32
    %scan3A_9 = arith.constant 200 : i32
    %scan3A_10 = arith.addi %scan3A_8, %scan3A_9 : i32
    %scan3A_11 = arith.constant 1 : i32
    %scan3A_12 = scf.for %scan3A_156 = %scan3A_8 to %scan3A_10 step %scan3A_11 iter_args(%scan3A_157 = %scan3A) -> (i32)  : i32 {
      %broadcast_in_dim3A = arith.constant 0 : i32
      %broadcast_in_dim3A_158 = vector.broadcast %broadcast_in_dim3A : i32 to vector<16xi32>
      %mul3A_159 = arith.constant 16 : i32
      %mul3A_160 = arith.muli %mul3A_159, %scan3A_156 : i32
      %swap3A = arith.index_cast %mul3A_160 : i32 to index
      %swap3A_161 = tpu.vector_load %arg10[%swap3A] {strides = array<i32>} : memref<3200xi32, #tpu.memory_space<vmem>>, vector<16xi32>,
      %swap3A_162 = vector.shape_cast %swap3A_161 : vector<16xi32> to vector<16xi32>
      %swap3A_163 = vector.shape_cast %broadcast_in_dim3A_158 : vector<16xi32> to vector<16xi32>
      tpu.vector_store %arg10[%swap3A], %swap3A_163 {strides = array<i32>} : memref<3200xi32, #tpu.memory_space<vmem>>, vector<16xi32>,
      %scan3A_164 = arith.constant 0 : i32
      scf.yield %scan3A_164 : i32
    }
    %scan3A_13 = arith.constant 200 : i32
    %scan3A_14 = arith.constant 0 : i32
    %scan3A_15 = arith.constant 0 : i32
    %scan3A_16 = arith.constant 5 : i32
    %scan3A_17 = arith.addi %scan3A_15, %scan3A_16 : i32
    %scan3A_18 = arith.constant 1 : i32
    %scan3A_19 = scf.for %scan3A_156 = %scan3A_15 to %scan3A_17 step %scan3A_18 iter_args(%scan3A_157 = %scan3A_14) -> (i32)  : i32 {
      %mul3A_158 = arith.constant 16000 : i32
      %mul3A_159 = arith.muli %arg1, %mul3A_158 : i32
      %mul3A_160 = arith.constant 3200 : i32
      %mul3A_161 = arith.muli %scan3A_156, %mul3A_160 : i32
      %add3A = arith.addi %mul3A_159, %mul3A_161 : i32
      "tpu.region"() ({
        %run_scoped3A_163 = tpu.sem_alloc : memref<!tpu.dma_semaphore, #tpu.memory_space<semaphore_mem>>
        %dma_start3A = tpu.memref_slice %arg7[%add3A] : memref<256000xi32, #tpu.memory_space<vmem_shared>> -> memref<3200xi32, #tpu.memory_space<vmem_shared>>
        %dma_start3A_164 = tpu.memref_slice %arg7[%add3A] : memref<256000xi32, #tpu.memory_space<vmem_shared>> -> memref<3200xi32, #tpu.memory_space<vmem_shared>>
        tpu.enqueue_dma source(%arg10 : memref<3200xi32, #tpu.memory_space<vmem>>) target(%dma_start3A_164 : memref<3200xi32, #tpu.memory_space<vmem_shared>>) target_semaphore(%run_scoped3A_163 : memref<!tpu.dma_semaphore, #tpu.memory_space<semaphore_mem>>)
        %dma_wait3A_165 = tpu.memref_slice %arg7[%add3A] : memref<256000xi32, #tpu.memory_space<vmem_shared>> -> memref<3200xi32, #tpu.memory_space<vmem_shared>>
        %dma_wait3A_166 = tpu.memref_slice %arg7[%add3A] : memref<256000xi32, #tpu.memory_space<vmem_shared>> -> memref<3200xi32, #tpu.memory_space<vmem_shared>>
        tpu.wait_dma2 semaphore(%run_scoped3A_163 : memref<!tpu.dma_semaphore, #tpu.memory_space<semaphore_mem>>) src(%arg10 : memref<3200xi32, #tpu.memory_space<vmem>>) dst(%dma_wait3A_166 : memref<3200xi32, #tpu.memory_space<vmem_shared>>)
        tpu.yield
      }) : () -> ()
      %scan3A_162 = arith.constant 0 : i32
      scf.yield %scan3A_162 : i32
    }
    %scan3A_20 = arith.constant 5 : i32
    %scan3A_21 = arith.constant 0 : i32
    %scan3A_22 = arith.constant 0 : i32
    %scan3A_23 = arith.constant 8 : i32
    %scan3A_24 = arith.addi %scan3A_22, %scan3A_23 : i32
    %scan3A_25 = arith.constant 1 : i32
    %scan3A_26 = scf.for %scan3A_156 = %scan3A_22 to %scan3A_24 step %scan3A_25 iter_args(%scan3A_157 = %scan3A_21) -> (i32)  : i32 {
      %broadcast_in_dim3A = arith.constant 1 : i32
      %broadcast_in_dim3A_158 = vector.broadcast %broadcast_in_dim3A : i32 to vector<16xi32>
      %mul3A_159 = arith.constant 16 : i32
      %mul3A_160 = arith.muli %mul3A_159, %scan3A_156 : i32
      %swap3A = arith.index_cast %mul3A_160 : i32 to index
      %swap3A_161 = tpu.vector_load %arg9[%swap3A] {strides = array<i32>} : memref<128xi32, #tpu.memory_space<vmem>>, vector<16xi32>,
      %swap3A_162 = vector.shape_cast %swap3A_161 : vector<16xi32> to vector<16xi32>
      %swap3A_163 = vector.shape_cast %broadcast_in_dim3A_158 : vector<16xi32> to vector<16xi32>
      tpu.vector_store %arg9[%swap3A], %swap3A_163 {strides = array<i32>} : memref<128xi32, #tpu.memory_space<vmem>>, vector<16xi32>,
      %scan3A_164 = arith.constant 0 : i32
      scf.yield %scan3A_164 : i32
    }
    %scan3A_27 = arith.constant 8 : i32
    %barrier3A = arith.constant 0 : index
    tpu.barrier barrier_id(%barrier3A)
    %lt3A = arith.constant 15 : i32
    %lt3A_28 = arith.cmpi slt, %arg1, %lt3A : i32
    %convert_element_type3A_29 = arith.extui %lt3A_28 : i1 to i32
    %cond3A_30 = arith.constant 0 : i32
    %cond3A_31 = arith.cmpi ne, %convert_element_type3A_29, %cond3A_30 : i32
    scf.if %cond3A_31 {
      %dma_wait3A_156 = arith.constant 0 : i32
      %dma_wait3A_157 = arith.constant 0 : i32
      %dma_wait3A_158 = tpu.memref_slice %arg2[%dma_wait3A_156, %mul3A_0, %dma_wait3A_157] : memref<2x12500x128xi32, #tpu.memory_space<hbm>> -> memref<1x784x128xi32, #tpu.memory_space<hbm>>
      %dma_wait3A_159 = tpu.memref_squeeze %dma_wait3A_158 : memref<1x784x128xi32, #tpu.memory_space<hbm>> -> memref<784x128xi32, #tpu.memory_space<hbm>>
      %dma_wait3A_160 = arith.constant 0 : i32
      %dma_wait3A_161 = tpu.memref_slice %arg2[%dma_wait3A_156, %mul3A_0, %dma_wait3A_160] : memref<2x12500x128xi32, #tpu.memory_space<hbm>> -> memref<1x784x128xi32, #tpu.memory_space<hbm>>
      %dma_wait3A_162 = tpu.memref_squeeze %dma_wait3A_161 : memref<1x784x128xi32, #tpu.memory_space<hbm>> -> memref<784x128xi32, #tpu.memory_space<hbm>>
      tpu.wait_dma2 semaphore(%arg11 : memref<!tpu.dma_semaphore, #tpu.memory_space<semaphore_mem>>) src(%dma_wait3A_162 : memref<784x128xi32, #tpu.memory_space<hbm>>) dst(%arg8 : memref<784x128xi32, #tpu.memory_space<vmem>>)
    } else {
    }
    %eq3A_32 = arith.constant 15 : i32
    %eq3A_33 = arith.cmpi eq, %arg1, %eq3A_32 : i32
    %convert_element_type3A_34 = arith.extui %eq3A_33 : i1 to i32
    %cond3A_35 = arith.constant 0 : i32
    %cond3A_36 = arith.cmpi ne, %convert_element_type3A_34, %cond3A_35 : i32
    scf.if %cond3A_36 {
      %dma_wait3A_156 = arith.constant 0 : i32
      %dma_wait3A_157 = arith.constant 0 : i32
      %dma_wait3A_158 = arith.constant 0 : i32
      %dma_wait3A_159 = tpu.memref_slice %arg8[%dma_wait3A_157, %dma_wait3A_158] : memref<784x128xi32, #tpu.memory_space<vmem>> -> memref<736x128xi32, #tpu.memory_space<vmem>>
      %dma_wait3A_160 = arith.constant 0 : i32
      %dma_wait3A_161 = tpu.memref_slice %arg2[%dma_wait3A_156, %mul3A_0, %dma_wait3A_160] : memref<2x12500x128xi32, #tpu.memory_space<hbm>> -> memref<1x736x128xi32, #tpu.memory_space<hbm>>
      %dma_wait3A_162 = tpu.memref_squeeze %dma_wait3A_161 : memref<1x736x128xi32, #tpu.memory_space<hbm>> -> memref<736x128xi32, #tpu.memory_space<hbm>>
      %dma_wait3A_163 = arith.constant 0 : i32
      %dma_wait3A_164 = arith.constant 0 : i32
      %dma_wait3A_165 = tpu.memref_slice %arg8[%dma_wait3A_163, %dma_wait3A_164] : memref<784x128xi32, #tpu.memory_space<vmem>> -> memref<736x128xi32, #tpu.memory_space<vmem>>
      %dma_wait3A_166 = arith.constant 0 : i32
      %dma_wait3A_167 = tpu.memref_slice %arg2[%dma_wait3A_156, %mul3A_0, %dma_wait3A_166] : memref<2x12500x128xi32, #tpu.memory_space<hbm>> -> memref<1x736x128xi32, #tpu.memory_space<hbm>>
      %dma_wait3A_168 = tpu.memref_squeeze %dma_wait3A_167 : memref<1x736x128xi32, #tpu.memory_space<hbm>> -> memref<736x128xi32, #tpu.memory_space<hbm>>
      tpu.wait_dma2 semaphore(%arg11 : memref<!tpu.dma_semaphore, #tpu.memory_space<semaphore_mem>>) src(%dma_wait3A_168 : memref<736x128xi32, #tpu.memory_space<hbm>>) dst(%dma_wait3A_165 : memref<736x128xi32, #tpu.memory_space<vmem>>)
      %dma_wait3A_169 = arith.constant 736 : i32
      %dma_wait3A_170 = arith.constant 0 : i32
      %dma_wait3A_171 = tpu.memref_slice %arg8[%dma_wait3A_169, %dma_wait3A_170] : memref<784x128xi32, #tpu.memory_space<vmem>> -> memref<4x128xi32, #tpu.memory_space<vmem>>
      %dma_wait3A_172 = arith.constant 736 : i32
      %dma_wait3A_173 = arith.constant 0 : i32
      %dma_wait3A_174 = tpu.memref_slice %arg8[%dma_wait3A_172, %dma_wait3A_173] : memref<784x128xi32, #tpu.memory_space<vmem>> -> memref<4x128xi32, #tpu.memory_space<vmem>>
      tpu.wait_dma2 semaphore(%arg11 : memref<!tpu.dma_semaphore, #tpu.memory_space<semaphore_mem>>) src(%arg4 : memref<4x128xi32, #tpu.memory_space<hbm>>) dst(%dma_wait3A_174 : memref<4x128xi32, #tpu.memory_space<vmem>>)
    } else {
    }
    %lt3A_37 = arith.constant 15 : i32
    %lt3A_38 = arith.cmpi slt, %arg1, %lt3A_37 : i32
    %jit3A = arith.constant 49 : i32
    %jit3A_39 = arith.constant 46 : i32
    %select_n3A = arith.select %lt3A_38, %jit3A, %jit3A_39 : i32
    %while3A = arith.constant 0 : i32
    %while3A_40 = arith.constant 0 : i32
    %while3A_41 = arith.subi %select_n3A, %while3A : i32
    %while3A_42 = arith.addi %while3A, %while3A_41 : i32
    %while3A_43 = arith.constant 1 : i32
    %while3A_44 = arith.divsi %while3A_41, %while3A_43 : i32
    %while3A_45 = arith.muli %while3A_44, %while3A_43 : i32
    %while3A_46 = arith.addi %while3A, %while3A_45 : i32
    %while3A_47 = arith.constant 1 : i32
    %while3A_48 = scf.for %while3A_156 = %while3A to %while3A_46 step %while3A_47 iter_args(%while3A_157 = %while3A_40) -> (i32)  : i32 {
      %gt3A = arith.constant 0 : i32
      %gt3A_158 = arith.cmpi sgt, %while3A_156, %gt3A : i32
      %convert_element_type3A_159 = arith.extui %gt3A_158 : i1 to i32
      %cond3A_160 = arith.constant 0 : i32
      %cond3A_161 = arith.cmpi ne, %convert_element_type3A_159, %cond3A_160 : i32
      scf.if %cond3A_161 {
        %dma_wait3A_305 = arith.constant 0 : i32
        %dma_wait3A_306 = arith.constant 0 : i32
        %dma_wait3A_307 = tpu.memref_slice %arg8[%dma_wait3A_305, %dma_wait3A_306] : memref<784x128xi32, #tpu.memory_space<vmem>> -> memref<1x128xi32, #tpu.memory_space<vmem>>
        %dma_wait3A_308 = tpu.memref_squeeze %dma_wait3A_307 : memref<1x128xi32, #tpu.memory_space<vmem>> -> memref<128xi32, #tpu.memory_space<vmem>>
        %dma_wait3A_309 = arith.constant 0 : i32
        %dma_wait3A_310 = tpu.memref_slice %arg7[%dma_wait3A_309] : memref<256000xi32, #tpu.memory_space<vmem_shared>> -> memref<256000xi32, #tpu.memory_space<vmem_shared>>
        tpu.wait_indirect_dma semaphore(%arg12 : memref<!tpu.dma_semaphore, #tpu.memory_space<semaphore_mem>>) src(%arg9 : memref<128xi32, #tpu.memory_space<vmem>>) dst(%dma_wait3A_310 : memref<256000xi32, #tpu.memory_space<vmem_shared>>)
        %dma_wait3A_311 = arith.constant 0 : i32
        %dma_wait3A_312 = arith.constant 0 : i32
        %dma_wait3A_313 = tpu.memref_slice %arg8[%dma_wait3A_311, %dma_wait3A_312] : memref<784x128xi32, #tpu.memory_space<vmem>> -> memref<1x128xi32, #tpu.memory_space<vmem>>
        %dma_wait3A_314 = tpu.memref_squeeze %dma_wait3A_313 : memref<1x128xi32, #tpu.memory_space<vmem>> -> memref<128xi32, #tpu.memory_space<vmem>>
        %dma_wait3A_315 = arith.constant 0 : i32
        %dma_wait3A_316 = tpu.memref_slice %arg7[%dma_wait3A_315] : memref<256000xi32, #tpu.memory_space<vmem_shared>> -> memref<256000xi32, #tpu.memory_space<vmem_shared>>
        tpu.wait_indirect_dma semaphore(%arg12 : memref<!tpu.dma_semaphore, #tpu.memory_space<semaphore_mem>>) src(%arg9 : memref<128xi32, #tpu.memory_space<vmem>>) dst(%dma_wait3A_316 : memref<256000xi32, #tpu.memory_space<vmem_shared>>)
        %dma_wait3A_317 = arith.constant 0 : i32
        %dma_wait3A_318 = arith.constant 0 : i32
        %dma_wait3A_319 = tpu.memref_slice %arg8[%dma_wait3A_317, %dma_wait3A_318] : memref<784x128xi32, #tpu.memory_space<vmem>> -> memref<1x128xi32, #tpu.memory_space<vmem>>
        %dma_wait3A_320 = tpu.memref_squeeze %dma_wait3A_319 : memref<1x128xi32, #tpu.memory_space<vmem>> -> memref<128xi32, #tpu.memory_space<vmem>>
        %dma_wait3A_321 = arith.constant 0 : i32
        %dma_wait3A_322 = tpu.memref_slice %arg7[%dma_wait3A_321] : memref<256000xi32, #tpu.memory_space<vmem_shared>> -> memref<256000xi32, #tpu.memory_space<vmem_shared>>
        tpu.wait_indirect_dma semaphore(%arg12 : memref<!tpu.dma_semaphore, #tpu.memory_space<semaphore_mem>>) src(%arg9 : memref<128xi32, #tpu.memory_space<vmem>>) dst(%dma_wait3A_322 : memref<256000xi32, #tpu.memory_space<vmem_shared>>)
        %dma_wait3A_323 = arith.constant 0 : i32
        %dma_wait3A_324 = arith.constant 0 : i32
        %dma_wait3A_325 = tpu.memref_slice %arg8[%dma_wait3A_323, %dma_wait3A_324] : memref<784x128xi32, #tpu.memory_space<vmem>> -> memref<1x128xi32, #tpu.memory_space<vmem>>
        %dma_wait3A_326 = tpu.memref_squeeze %dma_wait3A_325 : memref<1x128xi32, #tpu.memory_space<vmem>> -> memref<128xi32, #tpu.memory_space<vmem>>
        %dma_wait3A_327 = arith.constant 0 : i32
        %dma_wait3A_328 = tpu.memref_slice %arg7[%dma_wait3A_327] : memref<256000xi32, #tpu.memory_space<vmem_shared>> -> memref<256000xi32, #tpu.memory_space<vmem_shared>>
        tpu.wait_indirect_dma semaphore(%arg12 : memref<!tpu.dma_semaphore, #tpu.memory_space<semaphore_mem>>) src(%arg9 : memref<128xi32, #tpu.memory_space<vmem>>) dst(%dma_wait3A_328 : memref<256000xi32, #tpu.memory_space<vmem_shared>>)
        %dma_wait3A_329 = arith.constant 0 : i32
        %dma_wait3A_330 = arith.constant 0 : i32
        %dma_wait3A_331 = tpu.memref_slice %arg8[%dma_wait3A_329, %dma_wait3A_330] : memref<784x128xi32, #tpu.memory_space<vmem>> -> memref<1x128xi32, #tpu.memory_space<vmem>>
        %dma_wait3A_332 = tpu.memref_squeeze %dma_wait3A_331 : memref<1x128xi32, #tpu.memory_space<vmem>> -> memref<128xi32, #tpu.memory_space<vmem>>
        %dma_wait3A_333 = arith.constant 0 : i32
        %dma_wait3A_334 = tpu.memref_slice %arg7[%dma_wait3A_333] : memref<256000xi32, #tpu.memory_space<vmem_shared>> -> memref<256000xi32, #tpu.memory_space<vmem_shared>>
        tpu.wait_indirect_dma semaphore(%arg12 : memref<!tpu.dma_semaphore, #tpu.memory_space<semaphore_mem>>) src(%arg9 : memref<128xi32, #tpu.memory_space<vmem>>) dst(%dma_wait3A_334 : memref<256000xi32, #tpu.memory_space<vmem_shared>>)
        %dma_wait3A_335 = arith.constant 0 : i32
        %dma_wait3A_336 = arith.constant 0 : i32
        %dma_wait3A_337 = tpu.memref_slice %arg8[%dma_wait3A_335, %dma_wait3A_336] : memref<784x128xi32, #tpu.memory_space<vmem>> -> memref<1x128xi32, #tpu.memory_space<vmem>>
        %dma_wait3A_338 = tpu.memref_squeeze %dma_wait3A_337 : memref<1x128xi32, #tpu.memory_space<vmem>> -> memref<128xi32, #tpu.memory_space<vmem>>
        %dma_wait3A_339 = arith.constant 0 : i32
        %dma_wait3A_340 = tpu.memref_slice %arg7[%dma_wait3A_339] : memref<256000xi32, #tpu.memory_space<vmem_shared>> -> memref<256000xi32, #tpu.memory_space<vmem_shared>>
        tpu.wait_indirect_dma semaphore(%arg12 : memref<!tpu.dma_semaphore, #tpu.memory_space<semaphore_mem>>) src(%arg9 : memref<128xi32, #tpu.memory_space<vmem>>) dst(%dma_wait3A_340 : memref<256000xi32, #tpu.memory_space<vmem_shared>>)
        %dma_wait3A_341 = arith.constant 0 : i32
        %dma_wait3A_342 = arith.constant 0 : i32
        %dma_wait3A_343 = tpu.memref_slice %arg8[%dma_wait3A_341, %dma_wait3A_342] : memref<784x128xi32, #tpu.memory_space<vmem>> -> memref<1x128xi32, #tpu.memory_space<vmem>>
        %dma_wait3A_344 = tpu.memref_squeeze %dma_wait3A_343 : memref<1x128xi32, #tpu.memory_space<vmem>> -> memref<128xi32, #tpu.memory_space<vmem>>
        %dma_wait3A_345 = arith.constant 0 : i32
        %dma_wait3A_346 = tpu.memref_slice %arg7[%dma_wait3A_345] : memref<256000xi32, #tpu.memory_space<vmem_shared>> -> memref<256000xi32, #tpu.memory_space<vmem_shared>>
        tpu.wait_indirect_dma semaphore(%arg12 : memref<!tpu.dma_semaphore, #tpu.memory_space<semaphore_mem>>) src(%arg9 : memref<128xi32, #tpu.memory_space<vmem>>) dst(%dma_wait3A_346 : memref<256000xi32, #tpu.memory_space<vmem_shared>>)
        %dma_wait3A_347 = arith.constant 0 : i32
        %dma_wait3A_348 = arith.constant 0 : i32
        %dma_wait3A_349 = tpu.memref_slice %arg8[%dma_wait3A_347, %dma_wait3A_348] : memref<784x128xi32, #tpu.memory_space<vmem>> -> memref<1x128xi32, #tpu.memory_space<vmem>>
        %dma_wait3A_350 = tpu.memref_squeeze %dma_wait3A_349 : memref<1x128xi32, #tpu.memory_space<vmem>> -> memref<128xi32, #tpu.memory_space<vmem>>
        %dma_wait3A_351 = arith.constant 0 : i32
        %dma_wait3A_352 = tpu.memref_slice %arg7[%dma_wait3A_351] : memref<256000xi32, #tpu.memory_space<vmem_shared>> -> memref<256000xi32, #tpu.memory_space<vmem_shared>>
        tpu.wait_indirect_dma semaphore(%arg12 : memref<!tpu.dma_semaphore, #tpu.memory_space<semaphore_mem>>) src(%arg9 : memref<128xi32, #tpu.memory_space<vmem>>) dst(%dma_wait3A_352 : memref<256000xi32, #tpu.memory_space<vmem_shared>>)
        %dma_wait3A_353 = arith.constant 0 : i32
        %dma_wait3A_354 = arith.constant 0 : i32
        %dma_wait3A_355 = tpu.memref_slice %arg8[%dma_wait3A_353, %dma_wait3A_354] : memref<784x128xi32, #tpu.memory_space<vmem>> -> memref<1x128xi32, #tpu.memory_space<vmem>>
        %dma_wait3A_356 = tpu.memref_squeeze %dma_wait3A_355 : memref<1x128xi32, #tpu.memory_space<vmem>> -> memref<128xi32, #tpu.memory_space<vmem>>
        %dma_wait3A_357 = arith.constant 0 : i32
        %dma_wait3A_358 = tpu.memref_slice %arg7[%dma_wait3A_357] : memref<256000xi32, #tpu.memory_space<vmem_shared>> -> memref<256000xi32, #tpu.memory_space<vmem_shared>>
        tpu.wait_indirect_dma semaphore(%arg12 : memref<!tpu.dma_semaphore, #tpu.memory_space<semaphore_mem>>) src(%arg9 : memref<128xi32, #tpu.memory_space<vmem>>) dst(%dma_wait3A_358 : memref<256000xi32, #tpu.memory_space<vmem_shared>>)
        %dma_wait3A_359 = arith.constant 0 : i32
        %dma_wait3A_360 = arith.constant 0 : i32
        %dma_wait3A_361 = tpu.memref_slice %arg8[%dma_wait3A_359, %dma_wait3A_360] : memref<784x128xi32, #tpu.memory_space<vmem>> -> memref<1x128xi32, #tpu.memory_space<vmem>>
        %dma_wait3A_362 = tpu.memref_squeeze %dma_wait3A_361 : memref<1x128xi32, #tpu.memory_space<vmem>> -> memref<128xi32, #tpu.memory_space<vmem>>
        %dma_wait3A_363 = arith.constant 0 : i32
        %dma_wait3A_364 = tpu.memref_slice %arg7[%dma_wait3A_363] : memref<256000xi32, #tpu.memory_space<vmem_shared>> -> memref<256000xi32, #tpu.memory_space<vmem_shared>>
        tpu.wait_indirect_dma semaphore(%arg12 : memref<!tpu.dma_semaphore, #tpu.memory_space<semaphore_mem>>) src(%arg9 : memref<128xi32, #tpu.memory_space<vmem>>) dst(%dma_wait3A_364 : memref<256000xi32, #tpu.memory_space<vmem_shared>>)
        %dma_wait3A_365 = arith.constant 0 : i32
        %dma_wait3A_366 = arith.constant 0 : i32
        %dma_wait3A_367 = tpu.memref_slice %arg8[%dma_wait3A_365, %dma_wait3A_366] : memref<784x128xi32, #tpu.memory_space<vmem>> -> memref<1x128xi32, #tpu.memory_space<vmem>>
        %dma_wait3A_368 = tpu.memref_squeeze %dma_wait3A_367 : memref<1x128xi32, #tpu.memory_space<vmem>> -> memref<128xi32, #tpu.memory_space<vmem>>
        %dma_wait3A_369 = arith.constant 0 : i32
        %dma_wait3A_370 = tpu.memref_slice %arg7[%dma_wait3A_369] : memref<256000xi32, #tpu.memory_space<vmem_shared>> -> memref<256000xi32, #tpu.memory_space<vmem_shared>>
        tpu.wait_indirect_dma semaphore(%arg12 : memref<!tpu.dma_semaphore, #tpu.memory_space<semaphore_mem>>) src(%arg9 : memref<128xi32, #tpu.memory_space<vmem>>) dst(%dma_wait3A_370 : memref<256000xi32, #tpu.memory_space<vmem_shared>>)
        %dma_wait3A_371 = arith.constant 0 : i32
        %dma_wait3A_372 = arith.constant 0 : i32
        %dma_wait3A_373 = tpu.memref_slice %arg8[%dma_wait3A_371, %dma_wait3A_372] : memref<784x128xi32, #tpu.memory_space<vmem>> -> memref<1x128xi32, #tpu.memory_space<vmem>>
        %dma_wait3A_374 = tpu.memref_squeeze %dma_wait3A_373 : memref<1x128xi32, #tpu.memory_space<vmem>> -> memref<128xi32, #tpu.memory_space<vmem>>
        %dma_wait3A_375 = arith.constant 0 : i32
        %dma_wait3A_376 = tpu.memref_slice %arg7[%dma_wait3A_375] : memref<256000xi32, #tpu.memory_space<vmem_shared>> -> memref<256000xi32, #tpu.memory_space<vmem_shared>>
        tpu.wait_indirect_dma semaphore(%arg12 : memref<!tpu.dma_semaphore, #tpu.memory_space<semaphore_mem>>) src(%arg9 : memref<128xi32, #tpu.memory_space<vmem>>) dst(%dma_wait3A_376 : memref<256000xi32, #tpu.memory_space<vmem_shared>>)
        %dma_wait3A_377 = arith.constant 0 : i32
        %dma_wait3A_378 = arith.constant 0 : i32
        %dma_wait3A_379 = tpu.memref_slice %arg8[%dma_wait3A_377, %dma_wait3A_378] : memref<784x128xi32, #tpu.memory_space<vmem>> -> memref<1x128xi32, #tpu.memory_space<vmem>>
        %dma_wait3A_380 = tpu.memref_squeeze %dma_wait3A_379 : memref<1x128xi32, #tpu.memory_space<vmem>> -> memref<128xi32, #tpu.memory_space<vmem>>
        %dma_wait3A_381 = arith.constant 0 : i32
        %dma_wait3A_382 = tpu.memref_slice %arg7[%dma_wait3A_381] : memref<256000xi32, #tpu.memory_space<vmem_shared>> -> memref<256000xi32, #tpu.memory_space<vmem_shared>>
        tpu.wait_indirect_dma semaphore(%arg12 : memref<!tpu.dma_semaphore, #tpu.memory_space<semaphore_mem>>) src(%arg9 : memref<128xi32, #tpu.memory_space<vmem>>) dst(%dma_wait3A_382 : memref<256000xi32, #tpu.memory_space<vmem_shared>>)
        %dma_wait3A_383 = arith.constant 0 : i32
        %dma_wait3A_384 = arith.constant 0 : i32
        %dma_wait3A_385 = tpu.memref_slice %arg8[%dma_wait3A_383, %dma_wait3A_384] : memref<784x128xi32, #tpu.memory_space<vmem>> -> memref<1x128xi32, #tpu.memory_space<vmem>>
        %dma_wait3A_386 = tpu.memref_squeeze %dma_wait3A_385 : memref<1x128xi32, #tpu.memory_space<vmem>> -> memref<128xi32, #tpu.memory_space<vmem>>
        %dma_wait3A_387 = arith.constant 0 : i32
        %dma_wait3A_388 = tpu.memref_slice %arg7[%dma_wait3A_387] : memref<256000xi32, #tpu.memory_space<vmem_shared>> -> memref<256000xi32, #tpu.memory_space<vmem_shared>>
        tpu.wait_indirect_dma semaphore(%arg12 : memref<!tpu.dma_semaphore, #tpu.memory_space<semaphore_mem>>) src(%arg9 : memref<128xi32, #tpu.memory_space<vmem>>) dst(%dma_wait3A_388 : memref<256000xi32, #tpu.memory_space<vmem_shared>>)
        %dma_wait3A_389 = arith.constant 0 : i32
        %dma_wait3A_390 = arith.constant 0 : i32
        %dma_wait3A_391 = tpu.memref_slice %arg8[%dma_wait3A_389, %dma_wait3A_390] : memref<784x128xi32, #tpu.memory_space<vmem>> -> memref<1x128xi32, #tpu.memory_space<vmem>>
        %dma_wait3A_392 = tpu.memref_squeeze %dma_wait3A_391 : memref<1x128xi32, #tpu.memory_space<vmem>> -> memref<128xi32, #tpu.memory_space<vmem>>
        %dma_wait3A_393 = arith.constant 0 : i32
        %dma_wait3A_394 = tpu.memref_slice %arg7[%dma_wait3A_393] : memref<256000xi32, #tpu.memory_space<vmem_shared>> -> memref<256000xi32, #tpu.memory_space<vmem_shared>>
        tpu.wait_indirect_dma semaphore(%arg12 : memref<!tpu.dma_semaphore, #tpu.memory_space<semaphore_mem>>) src(%arg9 : memref<128xi32, #tpu.memory_space<vmem>>) dst(%dma_wait3A_394 : memref<256000xi32, #tpu.memory_space<vmem_shared>>)
        %dma_wait3A_395 = arith.constant 0 : i32
        %dma_wait3A_396 = arith.constant 0 : i32
        %dma_wait3A_397 = tpu.memref_slice %arg8[%dma_wait3A_395, %dma_wait3A_396] : memref<784x128xi32, #tpu.memory_space<vmem>> -> memref<1x128xi32, #tpu.memory_space<vmem>>
        %dma_wait3A_398 = tpu.memref_squeeze %dma_wait3A_397 : memref<1x128xi32, #tpu.memory_space<vmem>> -> memref<128xi32, #tpu.memory_space<vmem>>
        %dma_wait3A_399 = arith.constant 0 : i32
        %dma_wait3A_400 = tpu.memref_slice %arg7[%dma_wait3A_399] : memref<256000xi32, #tpu.memory_space<vmem_shared>> -> memref<256000xi32, #tpu.memory_space<vmem_shared>>
        tpu.wait_indirect_dma semaphore(%arg12 : memref<!tpu.dma_semaphore, #tpu.memory_space<semaphore_mem>>) src(%arg9 : memref<128xi32, #tpu.memory_space<vmem>>) dst(%dma_wait3A_400 : memref<256000xi32, #tpu.memory_space<vmem_shared>>)
      } else {
      }
      %mul3A_162 = arith.constant 16 : i32
      %mul3A_163 = arith.muli %mul3A_162, %while3A_156 : i32
      %add3A = arith.constant 0 : i32
      %add3A_164 = arith.addi %mul3A_163, %add3A : i32
      %dma_start3A = arith.constant 0 : i32
      %dma_start3A_165 = tpu.memref_slice %arg8[%add3A_164, %dma_start3A] : memref<784x128xi32, #tpu.memory_space<vmem>> -> memref<1x128xi32, #tpu.memory_space<vmem>>
      %dma_start3A_166 = tpu.memref_squeeze %dma_start3A_165 : memref<1x128xi32, #tpu.memory_space<vmem>> -> memref<128xi32, #tpu.memory_space<vmem>>
      %dma_start3A_167 = arith.constant 0 : i32
      %dma_start3A_168 = tpu.memref_slice %arg7[%dma_start3A_167] : memref<256000xi32, #tpu.memory_space<vmem_shared>> -> memref<256000xi32, #tpu.memory_space<vmem_shared>>
      tpu.enqueue_indirect_dma source(%arg9 : memref<128xi32, #tpu.memory_space<vmem>>) target(%dma_start3A_168 : memref<256000xi32, #tpu.memory_space<vmem_shared>>) offsets(%dma_start3A_166 : memref<128xi32, #tpu.memory_space<vmem>>) semaphore(%arg12 : memref<!tpu.dma_semaphore, #tpu.memory_space<semaphore_mem>>) {add = true}
      %mul3A_169 = arith.constant 16 : i32
      %mul3A_170 = arith.muli %mul3A_169, %while3A_156 : i32
      %add3A_171 = arith.constant 1 : i32
      %add3A_172 = arith.addi %mul3A_170, %add3A_171 : i32
      %dma_start3A_173 = arith.constant 0 : i32
      %dma_start3A_174 = tpu.memref_slice %arg8[%add3A_172, %dma_start3A_173] : memref<784x128xi32, #tpu.memory_space<vmem>> -> memref<1x128xi32, #tpu.memory_space<vmem>>
      %dma_start3A_175 = tpu.memref_squeeze %dma_start3A_174 : memref<1x128xi32, #tpu.memory_space<vmem>> -> memref<128xi32, #tpu.memory_space<vmem>>
      %dma_start3A_176 = arith.constant 0 : i32
      %dma_start3A_177 = tpu.memref_slice %arg7[%dma_start3A_176] : memref<256000xi32, #tpu.memory_space<vmem_shared>> -> memref<256000xi32, #tpu.memory_space<vmem_shared>>
      tpu.enqueue_indirect_dma source(%arg9 : memref<128xi32, #tpu.memory_space<vmem>>) target(%dma_start3A_177 : memref<256000xi32, #tpu.memory_space<vmem_shared>>) offsets(%dma_start3A_175 : memref<128xi32, #tpu.memory_space<vmem>>) semaphore(%arg12 : memref<!tpu.dma_semaphore, #tpu.memory_space<semaphore_mem>>) {add = true}
      %mul3A_178 = arith.constant 16 : i32
      %mul3A_179 = arith.muli %mul3A_178, %while3A_156 : i32
      %add3A_180 = arith.constant 2 : i32
      %add3A_181 = arith.addi %mul3A_179, %add3A_180 : i32
      %dma_start3A_182 = arith.constant 0 : i32
      %dma_start3A_183 = tpu.memref_slice %arg8[%add3A_181, %dma_start3A_182] : memref<784x128xi32, #tpu.memory_space<vmem>> -> memref<1x128xi32, #tpu.memory_space<vmem>>
      %dma_start3A_184 = tpu.memref_squeeze %dma_start3A_183 : memref<1x128xi32, #tpu.memory_space<vmem>> -> memref<128xi32, #tpu.memory_space<vmem>>
      %dma_start3A_185 = arith.constant 0 : i32
      %dma_start3A_186 = tpu.memref_slice %arg7[%dma_start3A_185] : memref<256000xi32, #tpu.memory_space<vmem_shared>> -> memref<256000xi32, #tpu.memory_space<vmem_shared>>
      tpu.enqueue_indirect_dma source(%arg9 : memref<128xi32, #tpu.memory_space<vmem>>) target(%dma_start3A_186 : memref<256000xi32, #tpu.memory_space<vmem_shared>>) offsets(%dma_start3A_184 : memref<128xi32, #tpu.memory_space<vmem>>) semaphore(%arg12 : memref<!tpu.dma_semaphore, #tpu.memory_space<semaphore_mem>>) {add = true}
      %mul3A_187 = arith.constant 16 : i32
      %mul3A_188 = arith.muli %mul3A_187, %while3A_156 : i32
      %add3A_189 = arith.constant 3 : i32
      %add3A_190 = arith.addi %mul3A_188, %add3A_189 : i32
      %dma_start3A_191 = arith.constant 0 : i32
      %dma_start3A_192 = tpu.memref_slice %arg8[%add3A_190, %dma_start3A_191] : memref<784x128xi32, #tpu.memory_space<vmem>> -> memref<1x128xi32, #tpu.memory_space<vmem>>
      %dma_start3A_193 = tpu.memref_squeeze %dma_start3A_192 : memref<1x128xi32, #tpu.memory_space<vmem>> -> memref<128xi32, #tpu.memory_space<vmem>>
      %dma_start3A_194 = arith.constant 0 : i32
      %dma_start3A_195 = tpu.memref_slice %arg7[%dma_start3A_194] : memref<256000xi32, #tpu.memory_space<vmem_shared>> -> memref<256000xi32, #tpu.memory_space<vmem_shared>>
      tpu.enqueue_indirect_dma source(%arg9 : memref<128xi32, #tpu.memory_space<vmem>>) target(%dma_start3A_195 : memref<256000xi32, #tpu.memory_space<vmem_shared>>) offsets(%dma_start3A_193 : memref<128xi32, #tpu.memory_space<vmem>>) semaphore(%arg12 : memref<!tpu.dma_semaphore, #tpu.memory_space<semaphore_mem>>) {add = true}
      %mul3A_196 = arith.constant 16 : i32
      %mul3A_197 = arith.muli %mul3A_196, %while3A_156 : i32
      %add3A_198 = arith.constant 4 : i32
      %add3A_199 = arith.addi %mul3A_197, %add3A_198 : i32
      %dma_start3A_200 = arith.constant 0 : i32
      %dma_start3A_201 = tpu.memref_slice %arg8[%add3A_199, %dma_start3A_200] : memref<784x128xi32, #tpu.memory_space<vmem>> -> memref<1x128xi32, #tpu.memory_space<vmem>>
      %dma_start3A_202 = tpu.memref_squeeze %dma_start3A_201 : memref<1x128xi32, #tpu.memory_space<vmem>> -> memref<128xi32, #tpu.memory_space<vmem>>
      %dma_start3A_203 = arith.constant 0 : i32
      %dma_start3A_204 = tpu.memref_slice %arg7[%dma_start3A_203] : memref<256000xi32, #tpu.memory_space<vmem_shared>> -> memref<256000xi32, #tpu.memory_space<vmem_shared>>
      tpu.enqueue_indirect_dma source(%arg9 : memref<128xi32, #tpu.memory_space<vmem>>) target(%dma_start3A_204 : memref<256000xi32, #tpu.memory_space<vmem_shared>>) offsets(%dma_start3A_202 : memref<128xi32, #tpu.memory_space<vmem>>) semaphore(%arg12 : memref<!tpu.dma_semaphore, #tpu.memory_space<semaphore_mem>>) {add = true}
      %mul3A_205 = arith.constant 16 : i32
      %mul3A_206 = arith.muli %mul3A_205, %while3A_156 : i32
      %add3A_207 = arith.constant 5 : i32
      %add3A_208 = arith.addi %mul3A_206, %add3A_207 : i32
      %dma_start3A_209 = arith.constant 0 : i32
      %dma_start3A_210 = tpu.memref_slice %arg8[%add3A_208, %dma_start3A_209] : memref<784x128xi32, #tpu.memory_space<vmem>> -> memref<1x128xi32, #tpu.memory_space<vmem>>
      %dma_start3A_211 = tpu.memref_squeeze %dma_start3A_210 : memref<1x128xi32, #tpu.memory_space<vmem>> -> memref<128xi32, #tpu.memory_space<vmem>>
      %dma_start3A_212 = arith.constant 0 : i32
      %dma_start3A_213 = tpu.memref_slice %arg7[%dma_start3A_212] : memref<256000xi32, #tpu.memory_space<vmem_shared>> -> memref<256000xi32, #tpu.memory_space<vmem_shared>>
      tpu.enqueue_indirect_dma source(%arg9 : memref<128xi32, #tpu.memory_space<vmem>>) target(%dma_start3A_213 : memref<256000xi32, #tpu.memory_space<vmem_shared>>) offsets(%dma_start3A_211 : memref<128xi32, #tpu.memory_space<vmem>>) semaphore(%arg12 : memref<!tpu.dma_semaphore, #tpu.memory_space<semaphore_mem>>) {add = true}
      %mul3A_214 = arith.constant 16 : i32
      %mul3A_215 = arith.muli %mul3A_214, %while3A_156 : i32
      %add3A_216 = arith.constant 6 : i32
      %add3A_217 = arith.addi %mul3A_215, %add3A_216 : i32
      %dma_start3A_218 = arith.constant 0 : i32
      %dma_start3A_219 = tpu.memref_slice %arg8[%add3A_217, %dma_start3A_218] : memref<784x128xi32, #tpu.memory_space<vmem>> -> memref<1x128xi32, #tpu.memory_space<vmem>>
      %dma_start3A_220 = tpu.memref_squeeze %dma_start3A_219 : memref<1x128xi32, #tpu.memory_space<vmem>> -> memref<128xi32, #tpu.memory_space<vmem>>
      %dma_start3A_221 = arith.constant 0 : i32
      %dma_start3A_222 = tpu.memref_slice %arg7[%dma_start3A_221] : memref<256000xi32, #tpu.memory_space<vmem_shared>> -> memref<256000xi32, #tpu.memory_space<vmem_shared>>
      tpu.enqueue_indirect_dma source(%arg9 : memref<128xi32, #tpu.memory_space<vmem>>) target(%dma_start3A_222 : memref<256000xi32, #tpu.memory_space<vmem_shared>>) offsets(%dma_start3A_220 : memref<128xi32, #tpu.memory_space<vmem>>) semaphore(%arg12 : memref<!tpu.dma_semaphore, #tpu.memory_space<semaphore_mem>>) {add = true}
      %mul3A_223 = arith.constant 16 : i32
      %mul3A_224 = arith.muli %mul3A_223, %while3A_156 : i32
      %add3A_225 = arith.constant 7 : i32
      %add3A_226 = arith.addi %mul3A_224, %add3A_225 : i32
      %dma_start3A_227 = arith.constant 0 : i32
      %dma_start3A_228 = tpu.memref_slice %arg8[%add3A_226, %dma_start3A_227] : memref<784x128xi32, #tpu.memory_space<vmem>> -> memref<1x128xi32, #tpu.memory_space<vmem>>
      %dma_start3A_229 = tpu.memref_squeeze %dma_start3A_228 : memref<1x128xi32, #tpu.memory_space<vmem>> -> memref<128xi32, #tpu.memory_space<vmem>>
      %dma_start3A_230 = arith.constant 0 : i32
      %dma_start3A_231 = tpu.memref_slice %arg7[%dma_start3A_230] : memref<256000xi32, #tpu.memory_space<vmem_shared>> -> memref<256000xi32, #tpu.memory_space<vmem_shared>>
      tpu.enqueue_indirect_dma source(%arg9 : memref<128xi32, #tpu.memory_space<vmem>>) target(%dma_start3A_231 : memref<256000xi32, #tpu.memory_space<vmem_shared>>) offsets(%dma_start3A_229 : memref<128xi32, #tpu.memory_space<vmem>>) semaphore(%arg12 : memref<!tpu.dma_semaphore, #tpu.memory_space<semaphore_mem>>) {add = true}
      %mul3A_232 = arith.constant 16 : i32
      %mul3A_233 = arith.muli %mul3A_232, %while3A_156 : i32
      %add3A_234 = arith.constant 8 : i32
      %add3A_235 = arith.addi %mul3A_233, %add3A_234 : i32
      %dma_start3A_236 = arith.constant 0 : i32
      %dma_start3A_237 = tpu.memref_slice %arg8[%add3A_235, %dma_start3A_236] : memref<784x128xi32, #tpu.memory_space<vmem>> -> memref<1x128xi32, #tpu.memory_space<vmem>>
      %dma_start3A_238 = tpu.memref_squeeze %dma_start3A_237 : memref<1x128xi32, #tpu.memory_space<vmem>> -> memref<128xi32, #tpu.memory_space<vmem>>
      %dma_start3A_239 = arith.constant 0 : i32
      %dma_start3A_240 = tpu.memref_slice %arg7[%dma_start3A_239] : memref<256000xi32, #tpu.memory_space<vmem_shared>> -> memref<256000xi32, #tpu.memory_space<vmem_shared>>
      tpu.enqueue_indirect_dma source(%arg9 : memref<128xi32, #tpu.memory_space<vmem>>) target(%dma_start3A_240 : memref<256000xi32, #tpu.memory_space<vmem_shared>>) offsets(%dma_start3A_238 : memref<128xi32, #tpu.memory_space<vmem>>) semaphore(%arg12 : memref<!tpu.dma_semaphore, #tpu.memory_space<semaphore_mem>>) {add = true}
      %mul3A_241 = arith.constant 16 : i32
      %mul3A_242 = arith.muli %mul3A_241, %while3A_156 : i32
      %add3A_243 = arith.constant 9 : i32
      %add3A_244 = arith.addi %mul3A_242, %add3A_243 : i32
      %dma_start3A_245 = arith.constant 0 : i32
      %dma_start3A_246 = tpu.memref_slice %arg8[%add3A_244, %dma_start3A_245] : memref<784x128xi32, #tpu.memory_space<vmem>> -> memref<1x128xi32, #tpu.memory_space<vmem>>
      %dma_start3A_247 = tpu.memref_squeeze %dma_start3A_246 : memref<1x128xi32, #tpu.memory_space<vmem>> -> memref<128xi32, #tpu.memory_space<vmem>>
      %dma_start3A_248 = arith.constant 0 : i32
      %dma_start3A_249 = tpu.memref_slice %arg7[%dma_start3A_248] : memref<256000xi32, #tpu.memory_space<vmem_shared>> -> memref<256000xi32, #tpu.memory_space<vmem_shared>>
      tpu.enqueue_indirect_dma source(%arg9 : memref<128xi32, #tpu.memory_space<vmem>>) target(%dma_start3A_249 : memref<256000xi32, #tpu.memory_space<vmem_shared>>) offsets(%dma_start3A_247 : memref<128xi32, #tpu.memory_space<vmem>>) semaphore(%arg12 : memref<!tpu.dma_semaphore, #tpu.memory_space<semaphore_mem>>) {add = true}
      %mul3A_250 = arith.constant 16 : i32
      %mul3A_251 = arith.muli %mul3A_250, %while3A_156 : i32
      %add3A_252 = arith.constant 10 : i32
      %add3A_253 = arith.addi %mul3A_251, %add3A_252 : i32
      %dma_start3A_254 = arith.constant 0 : i32
      %dma_start3A_255 = tpu.memref_slice %arg8[%add3A_253, %dma_start3A_254] : memref<784x128xi32, #tpu.memory_space<vmem>> -> memref<1x128xi32, #tpu.memory_space<vmem>>
      %dma_start3A_256 = tpu.memref_squeeze %dma_start3A_255 : memref<1x128xi32, #tpu.memory_space<vmem>> -> memref<128xi32, #tpu.memory_space<vmem>>
      %dma_start3A_257 = arith.constant 0 : i32
      %dma_start3A_258 = tpu.memref_slice %arg7[%dma_start3A_257] : memref<256000xi32, #tpu.memory_space<vmem_shared>> -> memref<256000xi32, #tpu.memory_space<vmem_shared>>
      tpu.enqueue_indirect_dma source(%arg9 : memref<128xi32, #tpu.memory_space<vmem>>) target(%dma_start3A_258 : memref<256000xi32, #tpu.memory_space<vmem_shared>>) offsets(%dma_start3A_256 : memref<128xi32, #tpu.memory_space<vmem>>) semaphore(%arg12 : memref<!tpu.dma_semaphore, #tpu.memory_space<semaphore_mem>>) {add = true}
      %mul3A_259 = arith.constant 16 : i32
      %mul3A_260 = arith.muli %mul3A_259, %while3A_156 : i32
      %add3A_261 = arith.constant 11 : i32
      %add3A_262 = arith.addi %mul3A_260, %add3A_261 : i32
      %dma_start3A_263 = arith.constant 0 : i32
      %dma_start3A_264 = tpu.memref_slice %arg8[%add3A_262, %dma_start3A_263] : memref<784x128xi32, #tpu.memory_space<vmem>> -> memref<1x128xi32, #tpu.memory_space<vmem>>
      %dma_start3A_265 = tpu.memref_squeeze %dma_start3A_264 : memref<1x128xi32, #tpu.memory_space<vmem>> -> memref<128xi32, #tpu.memory_space<vmem>>
      %dma_start3A_266 = arith.constant 0 : i32
      %dma_start3A_267 = tpu.memref_slice %arg7[%dma_start3A_266] : memref<256000xi32, #tpu.memory_space<vmem_shared>> -> memref<256000xi32, #tpu.memory_space<vmem_shared>>
      tpu.enqueue_indirect_dma source(%arg9 : memref<128xi32, #tpu.memory_space<vmem>>) target(%dma_start3A_267 : memref<256000xi32, #tpu.memory_space<vmem_shared>>) offsets(%dma_start3A_265 : memref<128xi32, #tpu.memory_space<vmem>>) semaphore(%arg12 : memref<!tpu.dma_semaphore, #tpu.memory_space<semaphore_mem>>) {add = true}
      %mul3A_268 = arith.constant 16 : i32
      %mul3A_269 = arith.muli %mul3A_268, %while3A_156 : i32
      %add3A_270 = arith.constant 12 : i32
      %add3A_271 = arith.addi %mul3A_269, %add3A_270 : i32
      %dma_start3A_272 = arith.constant 0 : i32
      %dma_start3A_273 = tpu.memref_slice %arg8[%add3A_271, %dma_start3A_272] : memref<784x128xi32, #tpu.memory_space<vmem>> -> memref<1x128xi32, #tpu.memory_space<vmem>>
      %dma_start3A_274 = tpu.memref_squeeze %dma_start3A_273 : memref<1x128xi32, #tpu.memory_space<vmem>> -> memref<128xi32, #tpu.memory_space<vmem>>
      %dma_start3A_275 = arith.constant 0 : i32
      %dma_start3A_276 = tpu.memref_slice %arg7[%dma_start3A_275] : memref<256000xi32, #tpu.memory_space<vmem_shared>> -> memref<256000xi32, #tpu.memory_space<vmem_shared>>
      tpu.enqueue_indirect_dma source(%arg9 : memref<128xi32, #tpu.memory_space<vmem>>) target(%dma_start3A_276 : memref<256000xi32, #tpu.memory_space<vmem_shared>>) offsets(%dma_start3A_274 : memref<128xi32, #tpu.memory_space<vmem>>) semaphore(%arg12 : memref<!tpu.dma_semaphore, #tpu.memory_space<semaphore_mem>>) {add = true}
      %mul3A_277 = arith.constant 16 : i32
      %mul3A_278 = arith.muli %mul3A_277, %while3A_156 : i32
      %add3A_279 = arith.constant 13 : i32
      %add3A_280 = arith.addi %mul3A_278, %add3A_279 : i32
      %dma_start3A_281 = arith.constant 0 : i32
      %dma_start3A_282 = tpu.memref_slice %arg8[%add3A_280, %dma_start3A_281] : memref<784x128xi32, #tpu.memory_space<vmem>> -> memref<1x128xi32, #tpu.memory_space<vmem>>
      %dma_start3A_283 = tpu.memref_squeeze %dma_start3A_282 : memref<1x128xi32, #tpu.memory_space<vmem>> -> memref<128xi32, #tpu.memory_space<vmem>>
      %dma_start3A_284 = arith.constant 0 : i32
      %dma_start3A_285 = tpu.memref_slice %arg7[%dma_start3A_284] : memref<256000xi32, #tpu.memory_space<vmem_shared>> -> memref<256000xi32, #tpu.memory_space<vmem_shared>>
      tpu.enqueue_indirect_dma source(%arg9 : memref<128xi32, #tpu.memory_space<vmem>>) target(%dma_start3A_285 : memref<256000xi32, #tpu.memory_space<vmem_shared>>) offsets(%dma_start3A_283 : memref<128xi32, #tpu.memory_space<vmem>>) semaphore(%arg12 : memref<!tpu.dma_semaphore, #tpu.memory_space<semaphore_mem>>) {add = true}
      %mul3A_286 = arith.constant 16 : i32
      %mul3A_287 = arith.muli %mul3A_286, %while3A_156 : i32
      %add3A_288 = arith.constant 14 : i32
      %add3A_289 = arith.addi %mul3A_287, %add3A_288 : i32
      %dma_start3A_290 = arith.constant 0 : i32
      %dma_start3A_291 = tpu.memref_slice %arg8[%add3A_289, %dma_start3A_290] : memref<784x128xi32, #tpu.memory_space<vmem>> -> memref<1x128xi32, #tpu.memory_space<vmem>>
      %dma_start3A_292 = tpu.memref_squeeze %dma_start3A_291 : memref<1x128xi32, #tpu.memory_space<vmem>> -> memref<128xi32, #tpu.memory_space<vmem>>
      %dma_start3A_293 = arith.constant 0 : i32
      %dma_start3A_294 = tpu.memref_slice %arg7[%dma_start3A_293] : memref<256000xi32, #tpu.memory_space<vmem_shared>> -> memref<256000xi32, #tpu.memory_space<vmem_shared>>
      tpu.enqueue_indirect_dma source(%arg9 : memref<128xi32, #tpu.memory_space<vmem>>) target(%dma_start3A_294 : memref<256000xi32, #tpu.memory_space<vmem_shared>>) offsets(%dma_start3A_292 : memref<128xi32, #tpu.memory_space<vmem>>) semaphore(%arg12 : memref<!tpu.dma_semaphore, #tpu.memory_space<semaphore_mem>>) {add = true}
      %mul3A_295 = arith.constant 16 : i32
      %mul3A_296 = arith.muli %mul3A_295, %while3A_156 : i32
      %add3A_297 = arith.constant 15 : i32
      %add3A_298 = arith.addi %mul3A_296, %add3A_297 : i32
      %dma_start3A_299 = arith.constant 0 : i32
      %dma_start3A_300 = tpu.memref_slice %arg8[%add3A_298, %dma_start3A_299] : memref<784x128xi32, #tpu.memory_space<vmem>> -> memref<1x128xi32, #tpu.memory_space<vmem>>
      %dma_start3A_301 = tpu.memref_squeeze %dma_start3A_300 : memref<1x128xi32, #tpu.memory_space<vmem>> -> memref<128xi32, #tpu.memory_space<vmem>>
      %dma_start3A_302 = arith.constant 0 : i32
      %dma_start3A_303 = tpu.memref_slice %arg7[%dma_start3A_302] : memref<256000xi32, #tpu.memory_space<vmem_shared>> -> memref<256000xi32, #tpu.memory_space<vmem_shared>>
      tpu.enqueue_indirect_dma source(%arg9 : memref<128xi32, #tpu.memory_space<vmem>>) target(%dma_start3A_303 : memref<256000xi32, #tpu.memory_space<vmem_shared>>) offsets(%dma_start3A_301 : memref<128xi32, #tpu.memory_space<vmem>>) semaphore(%arg12 : memref<!tpu.dma_semaphore, #tpu.memory_space<semaphore_mem>>) {add = true}
      %while3A_304 = arith.constant 0 : i32
      scf.yield %while3A_304 : i32
    }
    %while3A_49 = arith.constant 1 : i32
    %while3A_50 = scf.for %while3A_156 = %while3A_46 to %while3A_42 step %while3A_49 iter_args(%while3A_157 = %while3A_48) -> (i32)  : i32 {
      %gt3A = arith.constant 0 : i32
      %gt3A_158 = arith.cmpi sgt, %while3A_156, %gt3A : i32
      %convert_element_type3A_159 = arith.extui %gt3A_158 : i1 to i32
      %cond3A_160 = arith.constant 0 : i32
      %cond3A_161 = arith.cmpi ne, %convert_element_type3A_159, %cond3A_160 : i32
      scf.if %cond3A_161 {
        %dma_wait3A_305 = arith.constant 0 : i32
        %dma_wait3A_306 = arith.constant 0 : i32
        %dma_wait3A_307 = tpu.memref_slice %arg8[%dma_wait3A_305, %dma_wait3A_306] : memref<784x128xi32, #tpu.memory_space<vmem>> -> memref<1x128xi32, #tpu.memory_space<vmem>>
        %dma_wait3A_308 = tpu.memref_squeeze %dma_wait3A_307 : memref<1x128xi32, #tpu.memory_space<vmem>> -> memref<128xi32, #tpu.memory_space<vmem>>
        %dma_wait3A_309 = arith.constant 0 : i32
        %dma_wait3A_310 = tpu.memref_slice %arg7[%dma_wait3A_309] : memref<256000xi32, #tpu.memory_space<vmem_shared>> -> memref<256000xi32, #tpu.memory_space<vmem_shared>>
        tpu.wait_indirect_dma semaphore(%arg12 : memref<!tpu.dma_semaphore, #tpu.memory_space<semaphore_mem>>) src(%arg9 : memref<128xi32, #tpu.memory_space<vmem>>) dst(%dma_wait3A_310 : memref<256000xi32, #tpu.memory_space<vmem_shared>>)
        %dma_wait3A_311 = arith.constant 0 : i32
        %dma_wait3A_312 = arith.constant 0 : i32
        %dma_wait3A_313 = tpu.memref_slice %arg8[%dma_wait3A_311, %dma_wait3A_312] : memref<784x128xi32, #tpu.memory_space<vmem>> -> memref<1x128xi32, #tpu.memory_space<vmem>>
        %dma_wait3A_314 = tpu.memref_squeeze %dma_wait3A_313 : memref<1x128xi32, #tpu.memory_space<vmem>> -> memref<128xi32, #tpu.memory_space<vmem>>
        %dma_wait3A_315 = arith.constant 0 : i32
        %dma_wait3A_316 = tpu.memref_slice %arg7[%dma_wait3A_315] : memref<256000xi32, #tpu.memory_space<vmem_shared>> -> memref<256000xi32, #tpu.memory_space<vmem_shared>>
        tpu.wait_indirect_dma semaphore(%arg12 : memref<!tpu.dma_semaphore, #tpu.memory_space<semaphore_mem>>) src(%arg9 : memref<128xi32, #tpu.memory_space<vmem>>) dst(%dma_wait3A_316 : memref<256000xi32, #tpu.memory_space<vmem_shared>>)
        %dma_wait3A_317 = arith.constant 0 : i32
        %dma_wait3A_318 = arith.constant 0 : i32
        %dma_wait3A_319 = tpu.memref_slice %arg8[%dma_wait3A_317, %dma_wait3A_318] : memref<784x128xi32, #tpu.memory_space<vmem>> -> memref<1x128xi32, #tpu.memory_space<vmem>>
        %dma_wait3A_320 = tpu.memref_squeeze %dma_wait3A_319 : memref<1x128xi32, #tpu.memory_space<vmem>> -> memref<128xi32, #tpu.memory_space<vmem>>
        %dma_wait3A_321 = arith.constant 0 : i32
        %dma_wait3A_322 = tpu.memref_slice %arg7[%dma_wait3A_321] : memref<256000xi32, #tpu.memory_space<vmem_shared>> -> memref<256000xi32, #tpu.memory_space<vmem_shared>>
        tpu.wait_indirect_dma semaphore(%arg12 : memref<!tpu.dma_semaphore, #tpu.memory_space<semaphore_mem>>) src(%arg9 : memref<128xi32, #tpu.memory_space<vmem>>) dst(%dma_wait3A_322 : memref<256000xi32, #tpu.memory_space<vmem_shared>>)
        %dma_wait3A_323 = arith.constant 0 : i32
        %dma_wait3A_324 = arith.constant 0 : i32
        %dma_wait3A_325 = tpu.memref_slice %arg8[%dma_wait3A_323, %dma_wait3A_324] : memref<784x128xi32, #tpu.memory_space<vmem>> -> memref<1x128xi32, #tpu.memory_space<vmem>>
        %dma_wait3A_326 = tpu.memref_squeeze %dma_wait3A_325 : memref<1x128xi32, #tpu.memory_space<vmem>> -> memref<128xi32, #tpu.memory_space<vmem>>
        %dma_wait3A_327 = arith.constant 0 : i32
        %dma_wait3A_328 = tpu.memref_slice %arg7[%dma_wait3A_327] : memref<256000xi32, #tpu.memory_space<vmem_shared>> -> memref<256000xi32, #tpu.memory_space<vmem_shared>>
        tpu.wait_indirect_dma semaphore(%arg12 : memref<!tpu.dma_semaphore, #tpu.memory_space<semaphore_mem>>) src(%arg9 : memref<128xi32, #tpu.memory_space<vmem>>) dst(%dma_wait3A_328 : memref<256000xi32, #tpu.memory_space<vmem_shared>>)
        %dma_wait3A_329 = arith.constant 0 : i32
        %dma_wait3A_330 = arith.constant 0 : i32
        %dma_wait3A_331 = tpu.memref_slice %arg8[%dma_wait3A_329, %dma_wait3A_330] : memref<784x128xi32, #tpu.memory_space<vmem>> -> memref<1x128xi32, #tpu.memory_space<vmem>>
        %dma_wait3A_332 = tpu.memref_squeeze %dma_wait3A_331 : memref<1x128xi32, #tpu.memory_space<vmem>> -> memref<128xi32, #tpu.memory_space<vmem>>
        %dma_wait3A_333 = arith.constant 0 : i32
        %dma_wait3A_334 = tpu.memref_slice %arg7[%dma_wait3A_333] : memref<256000xi32, #tpu.memory_space<vmem_shared>> -> memref<256000xi32, #tpu.memory_space<vmem_shared>>
        tpu.wait_indirect_dma semaphore(%arg12 : memref<!tpu.dma_semaphore, #tpu.memory_space<semaphore_mem>>) src(%arg9 : memref<128xi32, #tpu.memory_space<vmem>>) dst(%dma_wait3A_334 : memref<256000xi32, #tpu.memory_space<vmem_shared>>)
        %dma_wait3A_335 = arith.constant 0 : i32
        %dma_wait3A_336 = arith.constant 0 : i32
        %dma_wait3A_337 = tpu.memref_slice %arg8[%dma_wait3A_335, %dma_wait3A_336] : memref<784x128xi32, #tpu.memory_space<vmem>> -> memref<1x128xi32, #tpu.memory_space<vmem>>
        %dma_wait3A_338 = tpu.memref_squeeze %dma_wait3A_337 : memref<1x128xi32, #tpu.memory_space<vmem>> -> memref<128xi32, #tpu.memory_space<vmem>>
        %dma_wait3A_339 = arith.constant 0 : i32
        %dma_wait3A_340 = tpu.memref_slice %arg7[%dma_wait3A_339] : memref<256000xi32, #tpu.memory_space<vmem_shared>> -> memref<256000xi32, #tpu.memory_space<vmem_shared>>
        tpu.wait_indirect_dma semaphore(%arg12 : memref<!tpu.dma_semaphore, #tpu.memory_space<semaphore_mem>>) src(%arg9 : memref<128xi32, #tpu.memory_space<vmem>>) dst(%dma_wait3A_340 : memref<256000xi32, #tpu.memory_space<vmem_shared>>)
        %dma_wait3A_341 = arith.constant 0 : i32
        %dma_wait3A_342 = arith.constant 0 : i32
        %dma_wait3A_343 = tpu.memref_slice %arg8[%dma_wait3A_341, %dma_wait3A_342] : memref<784x128xi32, #tpu.memory_space<vmem>> -> memref<1x128xi32, #tpu.memory_space<vmem>>
        %dma_wait3A_344 = tpu.memref_squeeze %dma_wait3A_343 : memref<1x128xi32, #tpu.memory_space<vmem>> -> memref<128xi32, #tpu.memory_space<vmem>>
        %dma_wait3A_345 = arith.constant 0 : i32
        %dma_wait3A_346 = tpu.memref_slice %arg7[%dma_wait3A_345] : memref<256000xi32, #tpu.memory_space<vmem_shared>> -> memref<256000xi32, #tpu.memory_space<vmem_shared>>
        tpu.wait_indirect_dma semaphore(%arg12 : memref<!tpu.dma_semaphore, #tpu.memory_space<semaphore_mem>>) src(%arg9 : memref<128xi32, #tpu.memory_space<vmem>>) dst(%dma_wait3A_346 : memref<256000xi32, #tpu.memory_space<vmem_shared>>)
        %dma_wait3A_347 = arith.constant 0 : i32
        %dma_wait3A_348 = arith.constant 0 : i32
        %dma_wait3A_349 = tpu.memref_slice %arg8[%dma_wait3A_347, %dma_wait3A_348] : memref<784x128xi32, #tpu.memory_space<vmem>> -> memref<1x128xi32, #tpu.memory_space<vmem>>
        %dma_wait3A_350 = tpu.memref_squeeze %dma_wait3A_349 : memref<1x128xi32, #tpu.memory_space<vmem>> -> memref<128xi32, #tpu.memory_space<vmem>>
        %dma_wait3A_351 = arith.constant 0 : i32
        %dma_wait3A_352 = tpu.memref_slice %arg7[%dma_wait3A_351] : memref<256000xi32, #tpu.memory_space<vmem_shared>> -> memref<256000xi32, #tpu.memory_space<vmem_shared>>
        tpu.wait_indirect_dma semaphore(%arg12 : memref<!tpu.dma_semaphore, #tpu.memory_space<semaphore_mem>>) src(%arg9 : memref<128xi32, #tpu.memory_space<vmem>>) dst(%dma_wait3A_352 : memref<256000xi32, #tpu.memory_space<vmem_shared>>)
        %dma_wait3A_353 = arith.constant 0 : i32
        %dma_wait3A_354 = arith.constant 0 : i32
        %dma_wait3A_355 = tpu.memref_slice %arg8[%dma_wait3A_353, %dma_wait3A_354] : memref<784x128xi32, #tpu.memory_space<vmem>> -> memref<1x128xi32, #tpu.memory_space<vmem>>
        %dma_wait3A_356 = tpu.memref_squeeze %dma_wait3A_355 : memref<1x128xi32, #tpu.memory_space<vmem>> -> memref<128xi32, #tpu.memory_space<vmem>>
        %dma_wait3A_357 = arith.constant 0 : i32
        %dma_wait3A_358 = tpu.memref_slice %arg7[%dma_wait3A_357] : memref<256000xi32, #tpu.memory_space<vmem_shared>> -> memref<256000xi32, #tpu.memory_space<vmem_shared>>
        tpu.wait_indirect_dma semaphore(%arg12 : memref<!tpu.dma_semaphore, #tpu.memory_space<semaphore_mem>>) src(%arg9 : memref<128xi32, #tpu.memory_space<vmem>>) dst(%dma_wait3A_358 : memref<256000xi32, #tpu.memory_space<vmem_shared>>)
        %dma_wait3A_359 = arith.constant 0 : i32
        %dma_wait3A_360 = arith.constant 0 : i32
        %dma_wait3A_361 = tpu.memref_slice %arg8[%dma_wait3A_359, %dma_wait3A_360] : memref<784x128xi32, #tpu.memory_space<vmem>> -> memref<1x128xi32, #tpu.memory_space<vmem>>
        %dma_wait3A_362 = tpu.memref_squeeze %dma_wait3A_361 : memref<1x128xi32, #tpu.memory_space<vmem>> -> memref<128xi32, #tpu.memory_space<vmem>>
        %dma_wait3A_363 = arith.constant 0 : i32
        %dma_wait3A_364 = tpu.memref_slice %arg7[%dma_wait3A_363] : memref<256000xi32, #tpu.memory_space<vmem_shared>> -> memref<256000xi32, #tpu.memory_space<vmem_shared>>
        tpu.wait_indirect_dma semaphore(%arg12 : memref<!tpu.dma_semaphore, #tpu.memory_space<semaphore_mem>>) src(%arg9 : memref<128xi32, #tpu.memory_space<vmem>>) dst(%dma_wait3A_364 : memref<256000xi32, #tpu.memory_space<vmem_shared>>)
        %dma_wait3A_365 = arith.constant 0 : i32
        %dma_wait3A_366 = arith.constant 0 : i32
        %dma_wait3A_367 = tpu.memref_slice %arg8[%dma_wait3A_365, %dma_wait3A_366] : memref<784x128xi32, #tpu.memory_space<vmem>> -> memref<1x128xi32, #tpu.memory_space<vmem>>
        %dma_wait3A_368 = tpu.memref_squeeze %dma_wait3A_367 : memref<1x128xi32, #tpu.memory_space<vmem>> -> memref<128xi32, #tpu.memory_space<vmem>>
        %dma_wait3A_369 = arith.constant 0 : i32
        %dma_wait3A_370 = tpu.memref_slice %arg7[%dma_wait3A_369] : memref<256000xi32, #tpu.memory_space<vmem_shared>> -> memref<256000xi32, #tpu.memory_space<vmem_shared>>
        tpu.wait_indirect_dma semaphore(%arg12 : memref<!tpu.dma_semaphore, #tpu.memory_space<semaphore_mem>>) src(%arg9 : memref<128xi32, #tpu.memory_space<vmem>>) dst(%dma_wait3A_370 : memref<256000xi32, #tpu.memory_space<vmem_shared>>)
        %dma_wait3A_371 = arith.constant 0 : i32
        %dma_wait3A_372 = arith.constant 0 : i32
        %dma_wait3A_373 = tpu.memref_slice %arg8[%dma_wait3A_371, %dma_wait3A_372] : memref<784x128xi32, #tpu.memory_space<vmem>> -> memref<1x128xi32, #tpu.memory_space<vmem>>
        %dma_wait3A_374 = tpu.memref_squeeze %dma_wait3A_373 : memref<1x128xi32, #tpu.memory_space<vmem>> -> memref<128xi32, #tpu.memory_space<vmem>>
        %dma_wait3A_375 = arith.constant 0 : i32
        %dma_wait3A_376 = tpu.memref_slice %arg7[%dma_wait3A_375] : memref<256000xi32, #tpu.memory_space<vmem_shared>> -> memref<256000xi32, #tpu.memory_space<vmem_shared>>
        tpu.wait_indirect_dma semaphore(%arg12 : memref<!tpu.dma_semaphore, #tpu.memory_space<semaphore_mem>>) src(%arg9 : memref<128xi32, #tpu.memory_space<vmem>>) dst(%dma_wait3A_376 : memref<256000xi32, #tpu.memory_space<vmem_shared>>)
        %dma_wait3A_377 = arith.constant 0 : i32
        %dma_wait3A_378 = arith.constant 0 : i32
        %dma_wait3A_379 = tpu.memref_slice %arg8[%dma_wait3A_377, %dma_wait3A_378] : memref<784x128xi32, #tpu.memory_space<vmem>> -> memref<1x128xi32, #tpu.memory_space<vmem>>
        %dma_wait3A_380 = tpu.memref_squeeze %dma_wait3A_379 : memref<1x128xi32, #tpu.memory_space<vmem>> -> memref<128xi32, #tpu.memory_space<vmem>>
        %dma_wait3A_381 = arith.constant 0 : i32
        %dma_wait3A_382 = tpu.memref_slice %arg7[%dma_wait3A_381] : memref<256000xi32, #tpu.memory_space<vmem_shared>> -> memref<256000xi32, #tpu.memory_space<vmem_shared>>
        tpu.wait_indirect_dma semaphore(%arg12 : memref<!tpu.dma_semaphore, #tpu.memory_space<semaphore_mem>>) src(%arg9 : memref<128xi32, #tpu.memory_space<vmem>>) dst(%dma_wait3A_382 : memref<256000xi32, #tpu.memory_space<vmem_shared>>)
        %dma_wait3A_383 = arith.constant 0 : i32
        %dma_wait3A_384 = arith.constant 0 : i32
        %dma_wait3A_385 = tpu.memref_slice %arg8[%dma_wait3A_383, %dma_wait3A_384] : memref<784x128xi32, #tpu.memory_space<vmem>> -> memref<1x128xi32, #tpu.memory_space<vmem>>
        %dma_wait3A_386 = tpu.memref_squeeze %dma_wait3A_385 : memref<1x128xi32, #tpu.memory_space<vmem>> -> memref<128xi32, #tpu.memory_space<vmem>>
        %dma_wait3A_387 = arith.constant 0 : i32
        %dma_wait3A_388 = tpu.memref_slice %arg7[%dma_wait3A_387] : memref<256000xi32, #tpu.memory_space<vmem_shared>> -> memref<256000xi32, #tpu.memory_space<vmem_shared>>
        tpu.wait_indirect_dma semaphore(%arg12 : memref<!tpu.dma_semaphore, #tpu.memory_space<semaphore_mem>>) src(%arg9 : memref<128xi32, #tpu.memory_space<vmem>>) dst(%dma_wait3A_388 : memref<256000xi32, #tpu.memory_space<vmem_shared>>)
        %dma_wait3A_389 = arith.constant 0 : i32
        %dma_wait3A_390 = arith.constant 0 : i32
        %dma_wait3A_391 = tpu.memref_slice %arg8[%dma_wait3A_389, %dma_wait3A_390] : memref<784x128xi32, #tpu.memory_space<vmem>> -> memref<1x128xi32, #tpu.memory_space<vmem>>
        %dma_wait3A_392 = tpu.memref_squeeze %dma_wait3A_391 : memref<1x128xi32, #tpu.memory_space<vmem>> -> memref<128xi32, #tpu.memory_space<vmem>>
        %dma_wait3A_393 = arith.constant 0 : i32
        %dma_wait3A_394 = tpu.memref_slice %arg7[%dma_wait3A_393] : memref<256000xi32, #tpu.memory_space<vmem_shared>> -> memref<256000xi32, #tpu.memory_space<vmem_shared>>
        tpu.wait_indirect_dma semaphore(%arg12 : memref<!tpu.dma_semaphore, #tpu.memory_space<semaphore_mem>>) src(%arg9 : memref<128xi32, #tpu.memory_space<vmem>>) dst(%dma_wait3A_394 : memref<256000xi32, #tpu.memory_space<vmem_shared>>)
        %dma_wait3A_395 = arith.constant 0 : i32
        %dma_wait3A_396 = arith.constant 0 : i32
        %dma_wait3A_397 = tpu.memref_slice %arg8[%dma_wait3A_395, %dma_wait3A_396] : memref<784x128xi32, #tpu.memory_space<vmem>> -> memref<1x128xi32, #tpu.memory_space<vmem>>
        %dma_wait3A_398 = tpu.memref_squeeze %dma_wait3A_397 : memref<1x128xi32, #tpu.memory_space<vmem>> -> memref<128xi32, #tpu.memory_space<vmem>>
        %dma_wait3A_399 = arith.constant 0 : i32
        %dma_wait3A_400 = tpu.memref_slice %arg7[%dma_wait3A_399] : memref<256000xi32, #tpu.memory_space<vmem_shared>> -> memref<256000xi32, #tpu.memory_space<vmem_shared>>
        tpu.wait_indirect_dma semaphore(%arg12 : memref<!tpu.dma_semaphore, #tpu.memory_space<semaphore_mem>>) src(%arg9 : memref<128xi32, #tpu.memory_space<vmem>>) dst(%dma_wait3A_400 : memref<256000xi32, #tpu.memory_space<vmem_shared>>)
      } else {
      }
      %mul3A_162 = arith.constant 16 : i32
      %mul3A_163 = arith.muli %mul3A_162, %while3A_156 : i32
      %add3A = arith.constant 0 : i32
      %add3A_164 = arith.addi %mul3A_163, %add3A : i32
      %dma_start3A = arith.constant 0 : i32
      %dma_start3A_165 = tpu.memref_slice %arg8[%add3A_164, %dma_start3A] : memref<784x128xi32, #tpu.memory_space<vmem>> -> memref<1x128xi32, #tpu.memory_space<vmem>>
      %dma_start3A_166 = tpu.memref_squeeze %dma_start3A_165 : memref<1x128xi32, #tpu.memory_space<vmem>> -> memref<128xi32, #tpu.memory_space<vmem>>
      %dma_start3A_167 = arith.constant 0 : i32
      %dma_start3A_168 = tpu.memref_slice %arg7[%dma_start3A_167] : memref<256000xi32, #tpu.memory_space<vmem_shared>> -> memref<256000xi32, #tpu.memory_space<vmem_shared>>
      tpu.enqueue_indirect_dma source(%arg9 : memref<128xi32, #tpu.memory_space<vmem>>) target(%dma_start3A_168 : memref<256000xi32, #tpu.memory_space<vmem_shared>>) offsets(%dma_start3A_166 : memref<128xi32, #tpu.memory_space<vmem>>) semaphore(%arg12 : memref<!tpu.dma_semaphore, #tpu.memory_space<semaphore_mem>>) {add = true}
      %mul3A_169 = arith.constant 16 : i32
      %mul3A_170 = arith.muli %mul3A_169, %while3A_156 : i32
      %add3A_171 = arith.constant 1 : i32
      %add3A_172 = arith.addi %mul3A_170, %add3A_171 : i32
      %dma_start3A_173 = arith.constant 0 : i32
      %dma_start3A_174 = tpu.memref_slice %arg8[%add3A_172, %dma_start3A_173] : memref<784x128xi32, #tpu.memory_space<vmem>> -> memref<1x128xi32, #tpu.memory_space<vmem>>
      %dma_start3A_175 = tpu.memref_squeeze %dma_start3A_174 : memref<1x128xi32, #tpu.memory_space<vmem>> -> memref<128xi32, #tpu.memory_space<vmem>>
      %dma_start3A_176 = arith.constant 0 : i32
      %dma_start3A_177 = tpu.memref_slice %arg7[%dma_start3A_176] : memref<256000xi32, #tpu.memory_space<vmem_shared>> -> memref<256000xi32, #tpu.memory_space<vmem_shared>>
      tpu.enqueue_indirect_dma source(%arg9 : memref<128xi32, #tpu.memory_space<vmem>>) target(%dma_start3A_177 : memref<256000xi32, #tpu.memory_space<vmem_shared>>) offsets(%dma_start3A_175 : memref<128xi32, #tpu.memory_space<vmem>>) semaphore(%arg12 : memref<!tpu.dma_semaphore, #tpu.memory_space<semaphore_mem>>) {add = true}
      %mul3A_178 = arith.constant 16 : i32
      %mul3A_179 = arith.muli %mul3A_178, %while3A_156 : i32
      %add3A_180 = arith.constant 2 : i32
      %add3A_181 = arith.addi %mul3A_179, %add3A_180 : i32
      %dma_start3A_182 = arith.constant 0 : i32
      %dma_start3A_183 = tpu.memref_slice %arg8[%add3A_181, %dma_start3A_182] : memref<784x128xi32, #tpu.memory_space<vmem>> -> memref<1x128xi32, #tpu.memory_space<vmem>>
      %dma_start3A_184 = tpu.memref_squeeze %dma_start3A_183 : memref<1x128xi32, #tpu.memory_space<vmem>> -> memref<128xi32, #tpu.memory_space<vmem>>
      %dma_start3A_185 = arith.constant 0 : i32
      %dma_start3A_186 = tpu.memref_slice %arg7[%dma_start3A_185] : memref<256000xi32, #tpu.memory_space<vmem_shared>> -> memref<256000xi32, #tpu.memory_space<vmem_shared>>
      tpu.enqueue_indirect_dma source(%arg9 : memref<128xi32, #tpu.memory_space<vmem>>) target(%dma_start3A_186 : memref<256000xi32, #tpu.memory_space<vmem_shared>>) offsets(%dma_start3A_184 : memref<128xi32, #tpu.memory_space<vmem>>) semaphore(%arg12 : memref<!tpu.dma_semaphore, #tpu.memory_space<semaphore_mem>>) {add = true}
      %mul3A_187 = arith.constant 16 : i32
      %mul3A_188 = arith.muli %mul3A_187, %while3A_156 : i32
      %add3A_189 = arith.constant 3 : i32
      %add3A_190 = arith.addi %mul3A_188, %add3A_189 : i32
      %dma_start3A_191 = arith.constant 0 : i32
      %dma_start3A_192 = tpu.memref_slice %arg8[%add3A_190, %dma_start3A_191] : memref<784x128xi32, #tpu.memory_space<vmem>> -> memref<1x128xi32, #tpu.memory_space<vmem>>
      %dma_start3A_193 = tpu.memref_squeeze %dma_start3A_192 : memref<1x128xi32, #tpu.memory_space<vmem>> -> memref<128xi32, #tpu.memory_space<vmem>>
      %dma_start3A_194 = arith.constant 0 : i32
      %dma_start3A_195 = tpu.memref_slice %arg7[%dma_start3A_194] : memref<256000xi32, #tpu.memory_space<vmem_shared>> -> memref<256000xi32, #tpu.memory_space<vmem_shared>>
      tpu.enqueue_indirect_dma source(%arg9 : memref<128xi32, #tpu.memory_space<vmem>>) target(%dma_start3A_195 : memref<256000xi32, #tpu.memory_space<vmem_shared>>) offsets(%dma_start3A_193 : memref<128xi32, #tpu.memory_space<vmem>>) semaphore(%arg12 : memref<!tpu.dma_semaphore, #tpu.memory_space<semaphore_mem>>) {add = true}
      %mul3A_196 = arith.constant 16 : i32
      %mul3A_197 = arith.muli %mul3A_196, %while3A_156 : i32
      %add3A_198 = arith.constant 4 : i32
      %add3A_199 = arith.addi %mul3A_197, %add3A_198 : i32
      %dma_start3A_200 = arith.constant 0 : i32
      %dma_start3A_201 = tpu.memref_slice %arg8[%add3A_199, %dma_start3A_200] : memref<784x128xi32, #tpu.memory_space<vmem>> -> memref<1x128xi32, #tpu.memory_space<vmem>>
      %dma_start3A_202 = tpu.memref_squeeze %dma_start3A_201 : memref<1x128xi32, #tpu.memory_space<vmem>> -> memref<128xi32, #tpu.memory_space<vmem>>
      %dma_start3A_203 = arith.constant 0 : i32
      %dma_start3A_204 = tpu.memref_slice %arg7[%dma_start3A_203] : memref<256000xi32, #tpu.memory_space<vmem_shared>> -> memref<256000xi32, #tpu.memory_space<vmem_shared>>
      tpu.enqueue_indirect_dma source(%arg9 : memref<128xi32, #tpu.memory_space<vmem>>) target(%dma_start3A_204 : memref<256000xi32, #tpu.memory_space<vmem_shared>>) offsets(%dma_start3A_202 : memref<128xi32, #tpu.memory_space<vmem>>) semaphore(%arg12 : memref<!tpu.dma_semaphore, #tpu.memory_space<semaphore_mem>>) {add = true}
      %mul3A_205 = arith.constant 16 : i32
      %mul3A_206 = arith.muli %mul3A_205, %while3A_156 : i32
      %add3A_207 = arith.constant 5 : i32
      %add3A_208 = arith.addi %mul3A_206, %add3A_207 : i32
      %dma_start3A_209 = arith.constant 0 : i32
      %dma_start3A_210 = tpu.memref_slice %arg8[%add3A_208, %dma_start3A_209] : memref<784x128xi32, #tpu.memory_space<vmem>> -> memref<1x128xi32, #tpu.memory_space<vmem>>
      %dma_start3A_211 = tpu.memref_squeeze %dma_start3A_210 : memref<1x128xi32, #tpu.memory_space<vmem>> -> memref<128xi32, #tpu.memory_space<vmem>>
      %dma_start3A_212 = arith.constant 0 : i32
      %dma_start3A_213 = tpu.memref_slice %arg7[%dma_start3A_212] : memref<256000xi32, #tpu.memory_space<vmem_shared>> -> memref<256000xi32, #tpu.memory_space<vmem_shared>>
      tpu.enqueue_indirect_dma source(%arg9 : memref<128xi32, #tpu.memory_space<vmem>>) target(%dma_start3A_213 : memref<256000xi32, #tpu.memory_space<vmem_shared>>) offsets(%dma_start3A_211 : memref<128xi32, #tpu.memory_space<vmem>>) semaphore(%arg12 : memref<!tpu.dma_semaphore, #tpu.memory_space<semaphore_mem>>) {add = true}
      %mul3A_214 = arith.constant 16 : i32
      %mul3A_215 = arith.muli %mul3A_214, %while3A_156 : i32
      %add3A_216 = arith.constant 6 : i32
      %add3A_217 = arith.addi %mul3A_215, %add3A_216 : i32
      %dma_start3A_218 = arith.constant 0 : i32
      %dma_start3A_219 = tpu.memref_slice %arg8[%add3A_217, %dma_start3A_218] : memref<784x128xi32, #tpu.memory_space<vmem>> -> memref<1x128xi32, #tpu.memory_space<vmem>>
      %dma_start3A_220 = tpu.memref_squeeze %dma_start3A_219 : memref<1x128xi32, #tpu.memory_space<vmem>> -> memref<128xi32, #tpu.memory_space<vmem>>
      %dma_start3A_221 = arith.constant 0 : i32
      %dma_start3A_222 = tpu.memref_slice %arg7[%dma_start3A_221] : memref<256000xi32, #tpu.memory_space<vmem_shared>> -> memref<256000xi32, #tpu.memory_space<vmem_shared>>
      tpu.enqueue_indirect_dma source(%arg9 : memref<128xi32, #tpu.memory_space<vmem>>) target(%dma_start3A_222 : memref<256000xi32, #tpu.memory_space<vmem_shared>>) offsets(%dma_start3A_220 : memref<128xi32, #tpu.memory_space<vmem>>) semaphore(%arg12 : memref<!tpu.dma_semaphore, #tpu.memory_space<semaphore_mem>>) {add = true}
      %mul3A_223 = arith.constant 16 : i32
      %mul3A_224 = arith.muli %mul3A_223, %while3A_156 : i32
      %add3A_225 = arith.constant 7 : i32
      %add3A_226 = arith.addi %mul3A_224, %add3A_225 : i32
      %dma_start3A_227 = arith.constant 0 : i32
      %dma_start3A_228 = tpu.memref_slice %arg8[%add3A_226, %dma_start3A_227] : memref<784x128xi32, #tpu.memory_space<vmem>> -> memref<1x128xi32, #tpu.memory_space<vmem>>
      %dma_start3A_229 = tpu.memref_squeeze %dma_start3A_228 : memref<1x128xi32, #tpu.memory_space<vmem>> -> memref<128xi32, #tpu.memory_space<vmem>>
      %dma_start3A_230 = arith.constant 0 : i32
      %dma_start3A_231 = tpu.memref_slice %arg7[%dma_start3A_230] : memref<256000xi32, #tpu.memory_space<vmem_shared>> -> memref<256000xi32, #tpu.memory_space<vmem_shared>>
      tpu.enqueue_indirect_dma source(%arg9 : memref<128xi32, #tpu.memory_space<vmem>>) target(%dma_start3A_231 : memref<256000xi32, #tpu.memory_space<vmem_shared>>) offsets(%dma_start3A_229 : memref<128xi32, #tpu.memory_space<vmem>>) semaphore(%arg12 : memref<!tpu.dma_semaphore, #tpu.memory_space<semaphore_mem>>) {add = true}
      %mul3A_232 = arith.constant 16 : i32
      %mul3A_233 = arith.muli %mul3A_232, %while3A_156 : i32
      %add3A_234 = arith.constant 8 : i32
      %add3A_235 = arith.addi %mul3A_233, %add3A_234 : i32
      %dma_start3A_236 = arith.constant 0 : i32
      %dma_start3A_237 = tpu.memref_slice %arg8[%add3A_235, %dma_start3A_236] : memref<784x128xi32, #tpu.memory_space<vmem>> -> memref<1x128xi32, #tpu.memory_space<vmem>>
      %dma_start3A_238 = tpu.memref_squeeze %dma_start3A_237 : memref<1x128xi32, #tpu.memory_space<vmem>> -> memref<128xi32, #tpu.memory_space<vmem>>
      %dma_start3A_239 = arith.constant 0 : i32
      %dma_start3A_240 = tpu.memref_slice %arg7[%dma_start3A_239] : memref<256000xi32, #tpu.memory_space<vmem_shared>> -> memref<256000xi32, #tpu.memory_space<vmem_shared>>
      tpu.enqueue_indirect_dma source(%arg9 : memref<128xi32, #tpu.memory_space<vmem>>) target(%dma_start3A_240 : memref<256000xi32, #tpu.memory_space<vmem_shared>>) offsets(%dma_start3A_238 : memref<128xi32, #tpu.memory_space<vmem>>) semaphore(%arg12 : memref<!tpu.dma_semaphore, #tpu.memory_space<semaphore_mem>>) {add = true}
      %mul3A_241 = arith.constant 16 : i32
      %mul3A_242 = arith.muli %mul3A_241, %while3A_156 : i32
      %add3A_243 = arith.constant 9 : i32
      %add3A_244 = arith.addi %mul3A_242, %add3A_243 : i32
      %dma_start3A_245 = arith.constant 0 : i32
      %dma_start3A_246 = tpu.memref_slice %arg8[%add3A_244, %dma_start3A_245] : memref<784x128xi32, #tpu.memory_space<vmem>> -> memref<1x128xi32, #tpu.memory_space<vmem>>
      %dma_start3A_247 = tpu.memref_squeeze %dma_start3A_246 : memref<1x128xi32, #tpu.memory_space<vmem>> -> memref<128xi32, #tpu.memory_space<vmem>>
      %dma_start3A_248 = arith.constant 0 : i32
      %dma_start3A_249 = tpu.memref_slice %arg7[%dma_start3A_248] : memref<256000xi32, #tpu.memory_space<vmem_shared>> -> memref<256000xi32, #tpu.memory_space<vmem_shared>>
      tpu.enqueue_indirect_dma source(%arg9 : memref<128xi32, #tpu.memory_space<vmem>>) target(%dma_start3A_249 : memref<256000xi32, #tpu.memory_space<vmem_shared>>) offsets(%dma_start3A_247 : memref<128xi32, #tpu.memory_space<vmem>>) semaphore(%arg12 : memref<!tpu.dma_semaphore, #tpu.memory_space<semaphore_mem>>) {add = true}
      %mul3A_250 = arith.constant 16 : i32
      %mul3A_251 = arith.muli %mul3A_250, %while3A_156 : i32
      %add3A_252 = arith.constant 10 : i32
      %add3A_253 = arith.addi %mul3A_251, %add3A_252 : i32
      %dma_start3A_254 = arith.constant 0 : i32
      %dma_start3A_255 = tpu.memref_slice %arg8[%add3A_253, %dma_start3A_254] : memref<784x128xi32, #tpu.memory_space<vmem>> -> memref<1x128xi32, #tpu.memory_space<vmem>>
      %dma_start3A_256 = tpu.memref_squeeze %dma_start3A_255 : memref<1x128xi32, #tpu.memory_space<vmem>> -> memref<128xi32, #tpu.memory_space<vmem>>
      %dma_start3A_257 = arith.constant 0 : i32
      %dma_start3A_258 = tpu.memref_slice %arg7[%dma_start3A_257] : memref<256000xi32, #tpu.memory_space<vmem_shared>> -> memref<256000xi32, #tpu.memory_space<vmem_shared>>
      tpu.enqueue_indirect_dma source(%arg9 : memref<128xi32, #tpu.memory_space<vmem>>) target(%dma_start3A_258 : memref<256000xi32, #tpu.memory_space<vmem_shared>>) offsets(%dma_start3A_256 : memref<128xi32, #tpu.memory_space<vmem>>) semaphore(%arg12 : memref<!tpu.dma_semaphore, #tpu.memory_space<semaphore_mem>>) {add = true}
      %mul3A_259 = arith.constant 16 : i32
      %mul3A_260 = arith.muli %mul3A_259, %while3A_156 : i32
      %add3A_261 = arith.constant 11 : i32
      %add3A_262 = arith.addi %mul3A_260, %add3A_261 : i32
      %dma_start3A_263 = arith.constant 0 : i32
      %dma_start3A_264 = tpu.memref_slice %arg8[%add3A_262, %dma_start3A_263] : memref<784x128xi32, #tpu.memory_space<vmem>> -> memref<1x128xi32, #tpu.memory_space<vmem>>
      %dma_start3A_265 = tpu.memref_squeeze %dma_start3A_264 : memref<1x128xi32, #tpu.memory_space<vmem>> -> memref<128xi32, #tpu.memory_space<vmem>>
      %dma_start3A_266 = arith.constant 0 : i32
      %dma_start3A_267 = tpu.memref_slice %arg7[%dma_start3A_266] : memref<256000xi32, #tpu.memory_space<vmem_shared>> -> memref<256000xi32, #tpu.memory_space<vmem_shared>>
      tpu.enqueue_indirect_dma source(%arg9 : memref<128xi32, #tpu.memory_space<vmem>>) target(%dma_start3A_267 : memref<256000xi32, #tpu.memory_space<vmem_shared>>) offsets(%dma_start3A_265 : memref<128xi32, #tpu.memory_space<vmem>>) semaphore(%arg12 : memref<!tpu.dma_semaphore, #tpu.memory_space<semaphore_mem>>) {add = true}
      %mul3A_268 = arith.constant 16 : i32
      %mul3A_269 = arith.muli %mul3A_268, %while3A_156 : i32
      %add3A_270 = arith.constant 12 : i32
      %add3A_271 = arith.addi %mul3A_269, %add3A_270 : i32
      %dma_start3A_272 = arith.constant 0 : i32
      %dma_start3A_273 = tpu.memref_slice %arg8[%add3A_271, %dma_start3A_272] : memref<784x128xi32, #tpu.memory_space<vmem>> -> memref<1x128xi32, #tpu.memory_space<vmem>>
      %dma_start3A_274 = tpu.memref_squeeze %dma_start3A_273 : memref<1x128xi32, #tpu.memory_space<vmem>> -> memref<128xi32, #tpu.memory_space<vmem>>
      %dma_start3A_275 = arith.constant 0 : i32
      %dma_start3A_276 = tpu.memref_slice %arg7[%dma_start3A_275] : memref<256000xi32, #tpu.memory_space<vmem_shared>> -> memref<256000xi32, #tpu.memory_space<vmem_shared>>
      tpu.enqueue_indirect_dma source(%arg9 : memref<128xi32, #tpu.memory_space<vmem>>) target(%dma_start3A_276 : memref<256000xi32, #tpu.memory_space<vmem_shared>>) offsets(%dma_start3A_274 : memref<128xi32, #tpu.memory_space<vmem>>) semaphore(%arg12 : memref<!tpu.dma_semaphore, #tpu.memory_space<semaphore_mem>>) {add = true}
      %mul3A_277 = arith.constant 16 : i32
      %mul3A_278 = arith.muli %mul3A_277, %while3A_156 : i32
      %add3A_279 = arith.constant 13 : i32
      %add3A_280 = arith.addi %mul3A_278, %add3A_279 : i32
      %dma_start3A_281 = arith.constant 0 : i32
      %dma_start3A_282 = tpu.memref_slice %arg8[%add3A_280, %dma_start3A_281] : memref<784x128xi32, #tpu.memory_space<vmem>> -> memref<1x128xi32, #tpu.memory_space<vmem>>
      %dma_start3A_283 = tpu.memref_squeeze %dma_start3A_282 : memref<1x128xi32, #tpu.memory_space<vmem>> -> memref<128xi32, #tpu.memory_space<vmem>>
      %dma_start3A_284 = arith.constant 0 : i32
      %dma_start3A_285 = tpu.memref_slice %arg7[%dma_start3A_284] : memref<256000xi32, #tpu.memory_space<vmem_shared>> -> memref<256000xi32, #tpu.memory_space<vmem_shared>>
      tpu.enqueue_indirect_dma source(%arg9 : memref<128xi32, #tpu.memory_space<vmem>>) target(%dma_start3A_285 : memref<256000xi32, #tpu.memory_space<vmem_shared>>) offsets(%dma_start3A_283 : memref<128xi32, #tpu.memory_space<vmem>>) semaphore(%arg12 : memref<!tpu.dma_semaphore, #tpu.memory_space<semaphore_mem>>) {add = true}
      %mul3A_286 = arith.constant 16 : i32
      %mul3A_287 = arith.muli %mul3A_286, %while3A_156 : i32
      %add3A_288 = arith.constant 14 : i32
      %add3A_289 = arith.addi %mul3A_287, %add3A_288 : i32
      %dma_start3A_290 = arith.constant 0 : i32
      %dma_start3A_291 = tpu.memref_slice %arg8[%add3A_289, %dma_start3A_290] : memref<784x128xi32, #tpu.memory_space<vmem>> -> memref<1x128xi32, #tpu.memory_space<vmem>>
      %dma_start3A_292 = tpu.memref_squeeze %dma_start3A_291 : memref<1x128xi32, #tpu.memory_space<vmem>> -> memref<128xi32, #tpu.memory_space<vmem>>
      %dma_start3A_293 = arith.constant 0 : i32
      %dma_start3A_294 = tpu.memref_slice %arg7[%dma_start3A_293] : memref<256000xi32, #tpu.memory_space<vmem_shared>> -> memref<256000xi32, #tpu.memory_space<vmem_shared>>
      tpu.enqueue_indirect_dma source(%arg9 : memref<128xi32, #tpu.memory_space<vmem>>) target(%dma_start3A_294 : memref<256000xi32, #tpu.memory_space<vmem_shared>>) offsets(%dma_start3A_292 : memref<128xi32, #tpu.memory_space<vmem>>) semaphore(%arg12 : memref<!tpu.dma_semaphore, #tpu.memory_space<semaphore_mem>>) {add = true}
      %mul3A_295 = arith.constant 16 : i32
      %mul3A_296 = arith.muli %mul3A_295, %while3A_156 : i32
      %add3A_297 = arith.constant 15 : i32
      %add3A_298 = arith.addi %mul3A_296, %add3A_297 : i32
      %dma_start3A_299 = arith.constant 0 : i32
      %dma_start3A_300 = tpu.memref_slice %arg8[%add3A_298, %dma_start3A_299] : memref<784x128xi32, #tpu.memory_space<vmem>> -> memref<1x128xi32, #tpu.memory_space<vmem>>
      %dma_start3A_301 = tpu.memref_squeeze %dma_start3A_300 : memref<1x128xi32, #tpu.memory_space<vmem>> -> memref<128xi32, #tpu.memory_space<vmem>>
      %dma_start3A_302 = arith.constant 0 : i32
      %dma_start3A_303 = tpu.memref_slice %arg7[%dma_start3A_302] : memref<256000xi32, #tpu.memory_space<vmem_shared>> -> memref<256000xi32, #tpu.memory_space<vmem_shared>>
      tpu.enqueue_indirect_dma source(%arg9 : memref<128xi32, #tpu.memory_space<vmem>>) target(%dma_start3A_303 : memref<256000xi32, #tpu.memory_space<vmem_shared>>) offsets(%dma_start3A_301 : memref<128xi32, #tpu.memory_space<vmem>>) semaphore(%arg12 : memref<!tpu.dma_semaphore, #tpu.memory_space<semaphore_mem>>) {add = true}
      %while3A_304 = arith.constant 0 : i32
      scf.yield %while3A_304 : i32
    }
    %dma_wait3A = arith.constant 0 : i32
    %dma_wait3A_51 = arith.constant 0 : i32
    %dma_wait3A_52 = tpu.memref_slice %arg8[%dma_wait3A, %dma_wait3A_51] : memref<784x128xi32, #tpu.memory_space<vmem>> -> memref<1x128xi32, #tpu.memory_space<vmem>>
    %dma_wait3A_53 = tpu.memref_squeeze %dma_wait3A_52 : memref<1x128xi32, #tpu.memory_space<vmem>> -> memref<128xi32, #tpu.memory_space<vmem>>
    %dma_wait3A_54 = arith.constant 0 : i32
    %dma_wait3A_55 = tpu.memref_slice %arg7[%dma_wait3A_54] : memref<256000xi32, #tpu.memory_space<vmem_shared>> -> memref<256000xi32, #tpu.memory_space<vmem_shared>>
    tpu.wait_indirect_dma semaphore(%arg12 : memref<!tpu.dma_semaphore, #tpu.memory_space<semaphore_mem>>) src(%arg9 : memref<128xi32, #tpu.memory_space<vmem>>) dst(%dma_wait3A_55 : memref<256000xi32, #tpu.memory_space<vmem_shared>>)
    %dma_wait3A_56 = arith.constant 0 : i32
    %dma_wait3A_57 = arith.constant 0 : i32
    %dma_wait3A_58 = tpu.memref_slice %arg8[%dma_wait3A_56, %dma_wait3A_57] : memref<784x128xi32, #tpu.memory_space<vmem>> -> memref<1x128xi32, #tpu.memory_space<vmem>>
    %dma_wait3A_59 = tpu.memref_squeeze %dma_wait3A_58 : memref<1x128xi32, #tpu.memory_space<vmem>> -> memref<128xi32, #tpu.memory_space<vmem>>
    %dma_wait3A_60 = arith.constant 0 : i32
    %dma_wait3A_61 = tpu.memref_slice %arg7[%dma_wait3A_60] : memref<256000xi32, #tpu.memory_space<vmem_shared>> -> memref<256000xi32, #tpu.memory_space<vmem_shared>>
    tpu.wait_indirect_dma semaphore(%arg12 : memref<!tpu.dma_semaphore, #tpu.memory_space<semaphore_mem>>) src(%arg9 : memref<128xi32, #tpu.memory_space<vmem>>) dst(%dma_wait3A_61 : memref<256000xi32, #tpu.memory_space<vmem_shared>>)
    %dma_wait3A_62 = arith.constant 0 : i32
    %dma_wait3A_63 = arith.constant 0 : i32
    %dma_wait3A_64 = tpu.memref_slice %arg8[%dma_wait3A_62, %dma_wait3A_63] : memref<784x128xi32, #tpu.memory_space<vmem>> -> memref<1x128xi32, #tpu.memory_space<vmem>>
    %dma_wait3A_65 = tpu.memref_squeeze %dma_wait3A_64 : memref<1x128xi32, #tpu.memory_space<vmem>> -> memref<128xi32, #tpu.memory_space<vmem>>
    %dma_wait3A_66 = arith.constant 0 : i32
    %dma_wait3A_67 = tpu.memref_slice %arg7[%dma_wait3A_66] : memref<256000xi32, #tpu.memory_space<vmem_shared>> -> memref<256000xi32, #tpu.memory_space<vmem_shared>>
    tpu.wait_indirect_dma semaphore(%arg12 : memref<!tpu.dma_semaphore, #tpu.memory_space<semaphore_mem>>) src(%arg9 : memref<128xi32, #tpu.memory_space<vmem>>) dst(%dma_wait3A_67 : memref<256000xi32, #tpu.memory_space<vmem_shared>>)
    %dma_wait3A_68 = arith.constant 0 : i32
    %dma_wait3A_69 = arith.constant 0 : i32
    %dma_wait3A_70 = tpu.memref_slice %arg8[%dma_wait3A_68, %dma_wait3A_69] : memref<784x128xi32, #tpu.memory_space<vmem>> -> memref<1x128xi32, #tpu.memory_space<vmem>>
    %dma_wait3A_71 = tpu.memref_squeeze %dma_wait3A_70 : memref<1x128xi32, #tpu.memory_space<vmem>> -> memref<128xi32, #tpu.memory_space<vmem>>
    %dma_wait3A_72 = arith.constant 0 : i32
    %dma_wait3A_73 = tpu.memref_slice %arg7[%dma_wait3A_72] : memref<256000xi32, #tpu.memory_space<vmem_shared>> -> memref<256000xi32, #tpu.memory_space<vmem_shared>>
    tpu.wait_indirect_dma semaphore(%arg12 : memref<!tpu.dma_semaphore, #tpu.memory_space<semaphore_mem>>) src(%arg9 : memref<128xi32, #tpu.memory_space<vmem>>) dst(%dma_wait3A_73 : memref<256000xi32, #tpu.memory_space<vmem_shared>>)
    %dma_wait3A_74 = arith.constant 0 : i32
    %dma_wait3A_75 = arith.constant 0 : i32
    %dma_wait3A_76 = tpu.memref_slice %arg8[%dma_wait3A_74, %dma_wait3A_75] : memref<784x128xi32, #tpu.memory_space<vmem>> -> memref<1x128xi32, #tpu.memory_space<vmem>>
    %dma_wait3A_77 = tpu.memref_squeeze %dma_wait3A_76 : memref<1x128xi32, #tpu.memory_space<vmem>> -> memref<128xi32, #tpu.memory_space<vmem>>
    %dma_wait3A_78 = arith.constant 0 : i32
    %dma_wait3A_79 = tpu.memref_slice %arg7[%dma_wait3A_78] : memref<256000xi32, #tpu.memory_space<vmem_shared>> -> memref<256000xi32, #tpu.memory_space<vmem_shared>>
    tpu.wait_indirect_dma semaphore(%arg12 : memref<!tpu.dma_semaphore, #tpu.memory_space<semaphore_mem>>) src(%arg9 : memref<128xi32, #tpu.memory_space<vmem>>) dst(%dma_wait3A_79 : memref<256000xi32, #tpu.memory_space<vmem_shared>>)
    %dma_wait3A_80 = arith.constant 0 : i32
    %dma_wait3A_81 = arith.constant 0 : i32
    %dma_wait3A_82 = tpu.memref_slice %arg8[%dma_wait3A_80, %dma_wait3A_81] : memref<784x128xi32, #tpu.memory_space<vmem>> -> memref<1x128xi32, #tpu.memory_space<vmem>>
    %dma_wait3A_83 = tpu.memref_squeeze %dma_wait3A_82 : memref<1x128xi32, #tpu.memory_space<vmem>> -> memref<128xi32, #tpu.memory_space<vmem>>
    %dma_wait3A_84 = arith.constant 0 : i32
    %dma_wait3A_85 = tpu.memref_slice %arg7[%dma_wait3A_84] : memref<256000xi32, #tpu.memory_space<vmem_shared>> -> memref<256000xi32, #tpu.memory_space<vmem_shared>>
    tpu.wait_indirect_dma semaphore(%arg12 : memref<!tpu.dma_semaphore, #tpu.memory_space<semaphore_mem>>) src(%arg9 : memref<128xi32, #tpu.memory_space<vmem>>) dst(%dma_wait3A_85 : memref<256000xi32, #tpu.memory_space<vmem_shared>>)
    %dma_wait3A_86 = arith.constant 0 : i32
    %dma_wait3A_87 = arith.constant 0 : i32
    %dma_wait3A_88 = tpu.memref_slice %arg8[%dma_wait3A_86, %dma_wait3A_87] : memref<784x128xi32, #tpu.memory_space<vmem>> -> memref<1x128xi32, #tpu.memory_space<vmem>>
    %dma_wait3A_89 = tpu.memref_squeeze %dma_wait3A_88 : memref<1x128xi32, #tpu.memory_space<vmem>> -> memref<128xi32, #tpu.memory_space<vmem>>
    %dma_wait3A_90 = arith.constant 0 : i32
    %dma_wait3A_91 = tpu.memref_slice %arg7[%dma_wait3A_90] : memref<256000xi32, #tpu.memory_space<vmem_shared>> -> memref<256000xi32, #tpu.memory_space<vmem_shared>>
    tpu.wait_indirect_dma semaphore(%arg12 : memref<!tpu.dma_semaphore, #tpu.memory_space<semaphore_mem>>) src(%arg9 : memref<128xi32, #tpu.memory_space<vmem>>) dst(%dma_wait3A_91 : memref<256000xi32, #tpu.memory_space<vmem_shared>>)
    %dma_wait3A_92 = arith.constant 0 : i32
    %dma_wait3A_93 = arith.constant 0 : i32
    %dma_wait3A_94 = tpu.memref_slice %arg8[%dma_wait3A_92, %dma_wait3A_93] : memref<784x128xi32, #tpu.memory_space<vmem>> -> memref<1x128xi32, #tpu.memory_space<vmem>>
    %dma_wait3A_95 = tpu.memref_squeeze %dma_wait3A_94 : memref<1x128xi32, #tpu.memory_space<vmem>> -> memref<128xi32, #tpu.memory_space<vmem>>
    %dma_wait3A_96 = arith.constant 0 : i32
    %dma_wait3A_97 = tpu.memref_slice %arg7[%dma_wait3A_96] : memref<256000xi32, #tpu.memory_space<vmem_shared>> -> memref<256000xi32, #tpu.memory_space<vmem_shared>>
    tpu.wait_indirect_dma semaphore(%arg12 : memref<!tpu.dma_semaphore, #tpu.memory_space<semaphore_mem>>) src(%arg9 : memref<128xi32, #tpu.memory_space<vmem>>) dst(%dma_wait3A_97 : memref<256000xi32, #tpu.memory_space<vmem_shared>>)
    %dma_wait3A_98 = arith.constant 0 : i32
    %dma_wait3A_99 = arith.constant 0 : i32
    %dma_wait3A_100 = tpu.memref_slice %arg8[%dma_wait3A_98, %dma_wait3A_99] : memref<784x128xi32, #tpu.memory_space<vmem>> -> memref<1x128xi32, #tpu.memory_space<vmem>>
    %dma_wait3A_101 = tpu.memref_squeeze %dma_wait3A_100 : memref<1x128xi32, #tpu.memory_space<vmem>> -> memref<128xi32, #tpu.memory_space<vmem>>
    %dma_wait3A_102 = arith.constant 0 : i32
    %dma_wait3A_103 = tpu.memref_slice %arg7[%dma_wait3A_102] : memref<256000xi32, #tpu.memory_space<vmem_shared>> -> memref<256000xi32, #tpu.memory_space<vmem_shared>>
    tpu.wait_indirect_dma semaphore(%arg12 : memref<!tpu.dma_semaphore, #tpu.memory_space<semaphore_mem>>) src(%arg9 : memref<128xi32, #tpu.memory_space<vmem>>) dst(%dma_wait3A_103 : memref<256000xi32, #tpu.memory_space<vmem_shared>>)
    %dma_wait3A_104 = arith.constant 0 : i32
    %dma_wait3A_105 = arith.constant 0 : i32
    %dma_wait3A_106 = tpu.memref_slice %arg8[%dma_wait3A_104, %dma_wait3A_105] : memref<784x128xi32, #tpu.memory_space<vmem>> -> memref<1x128xi32, #tpu.memory_space<vmem>>
    %dma_wait3A_107 = tpu.memref_squeeze %dma_wait3A_106 : memref<1x128xi32, #tpu.memory_space<vmem>> -> memref<128xi32, #tpu.memory_space<vmem>>
    %dma_wait3A_108 = arith.constant 0 : i32
    %dma_wait3A_109 = tpu.memref_slice %arg7[%dma_wait3A_108] : memref<256000xi32, #tpu.memory_space<vmem_shared>> -> memref<256000xi32, #tpu.memory_space<vmem_shared>>
    tpu.wait_indirect_dma semaphore(%arg12 : memref<!tpu.dma_semaphore, #tpu.memory_space<semaphore_mem>>) src(%arg9 : memref<128xi32, #tpu.memory_space<vmem>>) dst(%dma_wait3A_109 : memref<256000xi32, #tpu.memory_space<vmem_shared>>)
    %dma_wait3A_110 = arith.constant 0 : i32
    %dma_wait3A_111 = arith.constant 0 : i32
    %dma_wait3A_112 = tpu.memref_slice %arg8[%dma_wait3A_110, %dma_wait3A_111] : memref<784x128xi32, #tpu.memory_space<vmem>> -> memref<1x128xi32, #tpu.memory_space<vmem>>
    %dma_wait3A_113 = tpu.memref_squeeze %dma_wait3A_112 : memref<1x128xi32, #tpu.memory_space<vmem>> -> memref<128xi32, #tpu.memory_space<vmem>>
    %dma_wait3A_114 = arith.constant 0 : i32
    %dma_wait3A_115 = tpu.memref_slice %arg7[%dma_wait3A_114] : memref<256000xi32, #tpu.memory_space<vmem_shared>> -> memref<256000xi32, #tpu.memory_space<vmem_shared>>
    tpu.wait_indirect_dma semaphore(%arg12 : memref<!tpu.dma_semaphore, #tpu.memory_space<semaphore_mem>>) src(%arg9 : memref<128xi32, #tpu.memory_space<vmem>>) dst(%dma_wait3A_115 : memref<256000xi32, #tpu.memory_space<vmem_shared>>)
    %dma_wait3A_116 = arith.constant 0 : i32
    %dma_wait3A_117 = arith.constant 0 : i32
    %dma_wait3A_118 = tpu.memref_slice %arg8[%dma_wait3A_116, %dma_wait3A_117] : memref<784x128xi32, #tpu.memory_space<vmem>> -> memref<1x128xi32, #tpu.memory_space<vmem>>
    %dma_wait3A_119 = tpu.memref_squeeze %dma_wait3A_118 : memref<1x128xi32, #tpu.memory_space<vmem>> -> memref<128xi32, #tpu.memory_space<vmem>>
    %dma_wait3A_120 = arith.constant 0 : i32
    %dma_wait3A_121 = tpu.memref_slice %arg7[%dma_wait3A_120] : memref<256000xi32, #tpu.memory_space<vmem_shared>> -> memref<256000xi32, #tpu.memory_space<vmem_shared>>
    tpu.wait_indirect_dma semaphore(%arg12 : memref<!tpu.dma_semaphore, #tpu.memory_space<semaphore_mem>>) src(%arg9 : memref<128xi32, #tpu.memory_space<vmem>>) dst(%dma_wait3A_121 : memref<256000xi32, #tpu.memory_space<vmem_shared>>)
    %dma_wait3A_122 = arith.constant 0 : i32
    %dma_wait3A_123 = arith.constant 0 : i32
    %dma_wait3A_124 = tpu.memref_slice %arg8[%dma_wait3A_122, %dma_wait3A_123] : memref<784x128xi32, #tpu.memory_space<vmem>> -> memref<1x128xi32, #tpu.memory_space<vmem>>
    %dma_wait3A_125 = tpu.memref_squeeze %dma_wait3A_124 : memref<1x128xi32, #tpu.memory_space<vmem>> -> memref<128xi32, #tpu.memory_space<vmem>>
    %dma_wait3A_126 = arith.constant 0 : i32
    %dma_wait3A_127 = tpu.memref_slice %arg7[%dma_wait3A_126] : memref<256000xi32, #tpu.memory_space<vmem_shared>> -> memref<256000xi32, #tpu.memory_space<vmem_shared>>
    tpu.wait_indirect_dma semaphore(%arg12 : memref<!tpu.dma_semaphore, #tpu.memory_space<semaphore_mem>>) src(%arg9 : memref<128xi32, #tpu.memory_space<vmem>>) dst(%dma_wait3A_127 : memref<256000xi32, #tpu.memory_space<vmem_shared>>)
    %dma_wait3A_128 = arith.constant 0 : i32
    %dma_wait3A_129 = arith.constant 0 : i32
    %dma_wait3A_130 = tpu.memref_slice %arg8[%dma_wait3A_128, %dma_wait3A_129] : memref<784x128xi32, #tpu.memory_space<vmem>> -> memref<1x128xi32, #tpu.memory_space<vmem>>
    %dma_wait3A_131 = tpu.memref_squeeze %dma_wait3A_130 : memref<1x128xi32, #tpu.memory_space<vmem>> -> memref<128xi32, #tpu.memory_space<vmem>>
    %dma_wait3A_132 = arith.constant 0 : i32
    %dma_wait3A_133 = tpu.memref_slice %arg7[%dma_wait3A_132] : memref<256000xi32, #tpu.memory_space<vmem_shared>> -> memref<256000xi32, #tpu.memory_space<vmem_shared>>
    tpu.wait_indirect_dma semaphore(%arg12 : memref<!tpu.dma_semaphore, #tpu.memory_space<semaphore_mem>>) src(%arg9 : memref<128xi32, #tpu.memory_space<vmem>>) dst(%dma_wait3A_133 : memref<256000xi32, #tpu.memory_space<vmem_shared>>)
    %dma_wait3A_134 = arith.constant 0 : i32
    %dma_wait3A_135 = arith.constant 0 : i32
    %dma_wait3A_136 = tpu.memref_slice %arg8[%dma_wait3A_134, %dma_wait3A_135] : memref<784x128xi32, #tpu.memory_space<vmem>> -> memref<1x128xi32, #tpu.memory_space<vmem>>
    %dma_wait3A_137 = tpu.memref_squeeze %dma_wait3A_136 : memref<1x128xi32, #tpu.memory_space<vmem>> -> memref<128xi32, #tpu.memory_space<vmem>>
    %dma_wait3A_138 = arith.constant 0 : i32
    %dma_wait3A_139 = tpu.memref_slice %arg7[%dma_wait3A_138] : memref<256000xi32, #tpu.memory_space<vmem_shared>> -> memref<256000xi32, #tpu.memory_space<vmem_shared>>
    tpu.wait_indirect_dma semaphore(%arg12 : memref<!tpu.dma_semaphore, #tpu.memory_space<semaphore_mem>>) src(%arg9 : memref<128xi32, #tpu.memory_space<vmem>>) dst(%dma_wait3A_139 : memref<256000xi32, #tpu.memory_space<vmem_shared>>)
    %dma_wait3A_140 = arith.constant 0 : i32
    %dma_wait3A_141 = arith.constant 0 : i32
    %dma_wait3A_142 = tpu.memref_slice %arg8[%dma_wait3A_140, %dma_wait3A_141] : memref<784x128xi32, #tpu.memory_space<vmem>> -> memref<1x128xi32, #tpu.memory_space<vmem>>
    %dma_wait3A_143 = tpu.memref_squeeze %dma_wait3A_142 : memref<1x128xi32, #tpu.memory_space<vmem>> -> memref<128xi32, #tpu.memory_space<vmem>>
    %dma_wait3A_144 = arith.constant 0 : i32
    %dma_wait3A_145 = tpu.memref_slice %arg7[%dma_wait3A_144] : memref<256000xi32, #tpu.memory_space<vmem_shared>> -> memref<256000xi32, #tpu.memory_space<vmem_shared>>
    tpu.wait_indirect_dma semaphore(%arg12 : memref<!tpu.dma_semaphore, #tpu.memory_space<semaphore_mem>>) src(%arg9 : memref<128xi32, #tpu.memory_space<vmem>>) dst(%dma_wait3A_145 : memref<256000xi32, #tpu.memory_space<vmem_shared>>)
    %eq3A_146 = arith.constant 15 : i32
    %eq3A_147 = arith.cmpi eq, %arg1, %eq3A_146 : i32
    %convert_element_type3A_148 = arith.extui %eq3A_147 : i1 to i32
    %cond3A_149 = arith.constant 0 : i32
    %cond3A_150 = arith.cmpi ne, %convert_element_type3A_148, %cond3A_149 : i32
    scf.if %cond3A_150 {
      %dma_start3A = arith.constant 736 : i32
      %dma_start3A_156 = arith.constant 0 : i32
      %dma_start3A_157 = tpu.memref_slice %arg8[%dma_start3A, %dma_start3A_156] : memref<784x128xi32, #tpu.memory_space<vmem>> -> memref<1x128xi32, #tpu.memory_space<vmem>>
      %dma_start3A_158 = tpu.memref_squeeze %dma_start3A_157 : memref<1x128xi32, #tpu.memory_space<vmem>> -> memref<128xi32, #tpu.memory_space<vmem>>
      %dma_start3A_159 = arith.constant 0 : i32
      %dma_start3A_160 = tpu.memref_slice %arg7[%dma_start3A_159] : memref<256000xi32, #tpu.memory_space<vmem_shared>> -> memref<256000xi32, #tpu.memory_space<vmem_shared>>
      tpu.enqueue_indirect_dma source(%arg9 : memref<128xi32, #tpu.memory_space<vmem>>) target(%dma_start3A_160 : memref<256000xi32, #tpu.memory_space<vmem_shared>>) offsets(%dma_start3A_158 : memref<128xi32, #tpu.memory_space<vmem>>) semaphore(%arg12 : memref<!tpu.dma_semaphore, #tpu.memory_space<semaphore_mem>>) {add = true}
      %dma_start3A_161 = arith.constant 737 : i32
      %dma_start3A_162 = arith.constant 0 : i32
      %dma_start3A_163 = tpu.memref_slice %arg8[%dma_start3A_161, %dma_start3A_162] : memref<784x128xi32, #tpu.memory_space<vmem>> -> memref<1x128xi32, #tpu.memory_space<vmem>>
      %dma_start3A_164 = tpu.memref_squeeze %dma_start3A_163 : memref<1x128xi32, #tpu.memory_space<vmem>> -> memref<128xi32, #tpu.memory_space<vmem>>
      %dma_start3A_165 = arith.constant 0 : i32
      %dma_start3A_166 = tpu.memref_slice %arg7[%dma_start3A_165] : memref<256000xi32, #tpu.memory_space<vmem_shared>> -> memref<256000xi32, #tpu.memory_space<vmem_shared>>
      tpu.enqueue_indirect_dma source(%arg9 : memref<128xi32, #tpu.memory_space<vmem>>) target(%dma_start3A_166 : memref<256000xi32, #tpu.memory_space<vmem_shared>>) offsets(%dma_start3A_164 : memref<128xi32, #tpu.memory_space<vmem>>) semaphore(%arg12 : memref<!tpu.dma_semaphore, #tpu.memory_space<semaphore_mem>>) {add = true}
      %dma_start3A_167 = arith.constant 738 : i32
      %dma_start3A_168 = arith.constant 0 : i32
      %dma_start3A_169 = tpu.memref_slice %arg8[%dma_start3A_167, %dma_start3A_168] : memref<784x128xi32, #tpu.memory_space<vmem>> -> memref<1x128xi32, #tpu.memory_space<vmem>>
      %dma_start3A_170 = tpu.memref_squeeze %dma_start3A_169 : memref<1x128xi32, #tpu.memory_space<vmem>> -> memref<128xi32, #tpu.memory_space<vmem>>
      %dma_start3A_171 = arith.constant 0 : i32
      %dma_start3A_172 = tpu.memref_slice %arg7[%dma_start3A_171] : memref<256000xi32, #tpu.memory_space<vmem_shared>> -> memref<256000xi32, #tpu.memory_space<vmem_shared>>
      tpu.enqueue_indirect_dma source(%arg9 : memref<128xi32, #tpu.memory_space<vmem>>) target(%dma_start3A_172 : memref<256000xi32, #tpu.memory_space<vmem_shared>>) offsets(%dma_start3A_170 : memref<128xi32, #tpu.memory_space<vmem>>) semaphore(%arg12 : memref<!tpu.dma_semaphore, #tpu.memory_space<semaphore_mem>>) {add = true}
      %dma_start3A_173 = arith.constant 739 : i32
      %dma_start3A_174 = arith.constant 0 : i32
      %dma_start3A_175 = tpu.memref_slice %arg8[%dma_start3A_173, %dma_start3A_174] : memref<784x128xi32, #tpu.memory_space<vmem>> -> memref<1x128xi32, #tpu.memory_space<vmem>>
      %dma_start3A_176 = tpu.memref_squeeze %dma_start3A_175 : memref<1x128xi32, #tpu.memory_space<vmem>> -> memref<128xi32, #tpu.memory_space<vmem>>
      %dma_start3A_177 = arith.constant 0 : i32
      %dma_start3A_178 = tpu.memref_slice %arg7[%dma_start3A_177] : memref<256000xi32, #tpu.memory_space<vmem_shared>> -> memref<256000xi32, #tpu.memory_space<vmem_shared>>
      tpu.enqueue_indirect_dma source(%arg9 : memref<128xi32, #tpu.memory_space<vmem>>) target(%dma_start3A_178 : memref<256000xi32, #tpu.memory_space<vmem_shared>>) offsets(%dma_start3A_176 : memref<128xi32, #tpu.memory_space<vmem>>) semaphore(%arg12 : memref<!tpu.dma_semaphore, #tpu.memory_space<semaphore_mem>>) {add = true}
      %dma_wait3A_179 = arith.constant 0 : i32
      %dma_wait3A_180 = arith.constant 0 : i32
      %dma_wait3A_181 = tpu.memref_slice %arg8[%dma_wait3A_179, %dma_wait3A_180] : memref<784x128xi32, #tpu.memory_space<vmem>> -> memref<1x128xi32, #tpu.memory_space<vmem>>
      %dma_wait3A_182 = tpu.memref_squeeze %dma_wait3A_181 : memref<1x128xi32, #tpu.memory_space<vmem>> -> memref<128xi32, #tpu.memory_space<vmem>>
      %dma_wait3A_183 = arith.constant 0 : i32
      %dma_wait3A_184 = tpu.memref_slice %arg7[%dma_wait3A_183] : memref<256000xi32, #tpu.memory_space<vmem_shared>> -> memref<256000xi32, #tpu.memory_space<vmem_shared>>
      tpu.wait_indirect_dma semaphore(%arg12 : memref<!tpu.dma_semaphore, #tpu.memory_space<semaphore_mem>>) src(%arg9 : memref<128xi32, #tpu.memory_space<vmem>>) dst(%dma_wait3A_184 : memref<256000xi32, #tpu.memory_space<vmem_shared>>)
      %dma_wait3A_185 = arith.constant 0 : i32
      %dma_wait3A_186 = arith.constant 0 : i32
      %dma_wait3A_187 = tpu.memref_slice %arg8[%dma_wait3A_185, %dma_wait3A_186] : memref<784x128xi32, #tpu.memory_space<vmem>> -> memref<1x128xi32, #tpu.memory_space<vmem>>
      %dma_wait3A_188 = tpu.memref_squeeze %dma_wait3A_187 : memref<1x128xi32, #tpu.memory_space<vmem>> -> memref<128xi32, #tpu.memory_space<vmem>>
      %dma_wait3A_189 = arith.constant 0 : i32
      %dma_wait3A_190 = tpu.memref_slice %arg7[%dma_wait3A_189] : memref<256000xi32, #tpu.memory_space<vmem_shared>> -> memref<256000xi32, #tpu.memory_space<vmem_shared>>
      tpu.wait_indirect_dma semaphore(%arg12 : memref<!tpu.dma_semaphore, #tpu.memory_space<semaphore_mem>>) src(%arg9 : memref<128xi32, #tpu.memory_space<vmem>>) dst(%dma_wait3A_190 : memref<256000xi32, #tpu.memory_space<vmem_shared>>)
      %dma_wait3A_191 = arith.constant 0 : i32
      %dma_wait3A_192 = arith.constant 0 : i32
      %dma_wait3A_193 = tpu.memref_slice %arg8[%dma_wait3A_191, %dma_wait3A_192] : memref<784x128xi32, #tpu.memory_space<vmem>> -> memref<1x128xi32, #tpu.memory_space<vmem>>
      %dma_wait3A_194 = tpu.memref_squeeze %dma_wait3A_193 : memref<1x128xi32, #tpu.memory_space<vmem>> -> memref<128xi32, #tpu.memory_space<vmem>>
      %dma_wait3A_195 = arith.constant 0 : i32
      %dma_wait3A_196 = tpu.memref_slice %arg7[%dma_wait3A_195] : memref<256000xi32, #tpu.memory_space<vmem_shared>> -> memref<256000xi32, #tpu.memory_space<vmem_shared>>
      tpu.wait_indirect_dma semaphore(%arg12 : memref<!tpu.dma_semaphore, #tpu.memory_space<semaphore_mem>>) src(%arg9 : memref<128xi32, #tpu.memory_space<vmem>>) dst(%dma_wait3A_196 : memref<256000xi32, #tpu.memory_space<vmem_shared>>)
      %dma_wait3A_197 = arith.constant 0 : i32
      %dma_wait3A_198 = arith.constant 0 : i32
      %dma_wait3A_199 = tpu.memref_slice %arg8[%dma_wait3A_197, %dma_wait3A_198] : memref<784x128xi32, #tpu.memory_space<vmem>> -> memref<1x128xi32, #tpu.memory_space<vmem>>
      %dma_wait3A_200 = tpu.memref_squeeze %dma_wait3A_199 : memref<1x128xi32, #tpu.memory_space<vmem>> -> memref<128xi32, #tpu.memory_space<vmem>>
      %dma_wait3A_201 = arith.constant 0 : i32
      %dma_wait3A_202 = tpu.memref_slice %arg7[%dma_wait3A_201] : memref<256000xi32, #tpu.memory_space<vmem_shared>> -> memref<256000xi32, #tpu.memory_space<vmem_shared>>
      tpu.wait_indirect_dma semaphore(%arg12 : memref<!tpu.dma_semaphore, #tpu.memory_space<semaphore_mem>>) src(%arg9 : memref<128xi32, #tpu.memory_space<vmem>>) dst(%dma_wait3A_202 : memref<256000xi32, #tpu.memory_space<vmem_shared>>)
    } else {
    }
    %barrier3A_151 = arith.constant 0 : index
    tpu.barrier barrier_id(%barrier3A_151)
    %mul3A_152 = arith.constant 16000 : i32
    %mul3A_153 = arith.muli %arg1, %mul3A_152 : i32
    %mul3A_154 = arith.constant 16000 : i32
    %mul3A_155 = arith.muli %arg1, %mul3A_154 : i32
    %run_scoped3A = arith.constant 0 : i32
    "tpu.region"() ({
      %run_scoped3A_156 = tpu.sem_alloc : memref<!tpu.dma_semaphore, #tpu.memory_space<semaphore_mem>>
      %dma_start3A = tpu.memref_slice %arg6[%arg0, %run_scoped3A, %mul3A_155] : memref<2x1x256000xi32, #tpu.memory_space<hbm>> -> memref<1x1x16000xi32, #tpu.memory_space<hbm>>
      %dma_start3A_157 = tpu.memref_squeeze %dma_start3A : memref<1x1x16000xi32, #tpu.memory_space<hbm>> -> memref<16000xi32, #tpu.memory_space<hbm>>
      %dma_start3A_158 = tpu.memref_slice %arg7[%mul3A_153] : memref<256000xi32, #tpu.memory_space<vmem_shared>> -> memref<16000xi32, #tpu.memory_space<vmem_shared>>
      tpu.enqueue_dma source(%dma_start3A_158 : memref<16000xi32, #tpu.memory_space<vmem_shared>>) target(%dma_start3A_157 : memref<16000xi32, #tpu.memory_space<hbm>>) target_semaphore(%run_scoped3A_156 : memref<!tpu.dma_semaphore, #tpu.memory_space<semaphore_mem>>)
      %dma_wait3A_159 = tpu.memref_slice %arg6[%arg0, %run_scoped3A, %mul3A_155] : memref<2x1x256000xi32, #tpu.memory_space<hbm>> -> memref<1x1x16000xi32, #tpu.memory_space<hbm>>
      %dma_wait3A_160 = tpu.memref_squeeze %dma_wait3A_159 : memref<1x1x16000xi32, #tpu.memory_space<hbm>> -> memref<16000xi32, #tpu.memory_space<hbm>>
      %dma_wait3A_161 = tpu.memref_slice %arg7[%mul3A_153] : memref<256000xi32, #tpu.memory_space<vmem_shared>> -> memref<16000xi32, #tpu.memory_space<vmem_shared>>
      tpu.wait_dma2 semaphore(%run_scoped3A_156 : memref<!tpu.dma_semaphore, #tpu.memory_space<semaphore_mem>>) src(%dma_wait3A_161 : memref<16000xi32, #tpu.memory_space<vmem_shared>>) dst(%dma_wait3A_160 : memref<16000xi32, #tpu.memory_space<hbm>>)
      tpu.yield
    }) : () -> ()
    return
  }
}

module attributes {stable_mosaic.version = 14 : i64} {
  func.func @_gather_add_body(%arg0: i32, %arg1: memref<4000x128xf32, #tpu.memory_space<vmem>>, %arg2: memref<1x1x1x4000xi32, #tpu.memory_space<vmem>>, %arg3: memref<1x1x1x4000xi32, #tpu.memory_space<vmem>>, %arg4: memref<512x128xbf16, #tpu.memory_space<vmem>>, %arg5: memref<512x128xbf16, #tpu.memory_space<vmem>>, %arg6: memref<4000x128xf32, #tpu.memory_space<vmem>>) attributes {dimension_semantics = [#tpu.dimension_semantics<arbitrary>], iteration_bounds = array<i64: 25>, scalar_prefetch = 0 : i64, scratch_operands = 0 : i64, tpu.core_type = #tpu.core_type<tc>, window_params = [{transform_indices = @transform_0, window_bounds = array<i64: 4000, 128>}, {transform_indices = @transform_1, window_bounds = array<i64: 1, 1, 1, 4000>}, {transform_indices = @transform_2, window_bounds = array<i64: 1, 1, 1, 4000>}, {pipeline_mode = #tpu.pipeline_mode<synchronous>, transform_indices = @transform_3, window_bounds = array<i64: 512, 128>}, {pipeline_mode = #tpu.pipeline_mode<synchronous>, transform_indices = @transform_4, window_bounds = array<i64: 512, 128>}, {transform_indices = @transform_5, window_bounds = array<i64: 4000, 128>}]} {
    %get3A = arith.constant 0 : index
    %get3A_0 = arith.constant 0 : index
    %get3A_1 = arith.constant 0 : index
    %get3A_2 = arith.constant 0 : index
    %get3A_3 = vector.load %arg2[%get3A, %get3A_0, %get3A_1, %get3A_2] : memref<1x1x1x4000xi32, #tpu.memory_space<vmem>>, vector<1x1x1x4000xi32>
    %get3A_4 = vector.shape_cast %get3A_3 : vector<1x1x1x4000xi32> to vector<1x4000xi32>
    %min3A = arith.constant 511 : i32
    %min3A_5 = vector.broadcast %min3A : i32 to vector<1x4000xi32>
    %min3A_6 = arith.minsi %get3A_4, %min3A_5 : vector<1x4000xi32>
    %get3A_7 = arith.constant 0 : index
    %get3A_8 = arith.constant 0 : index
    %get3A_9 = arith.constant 0 : index
    %get3A_10 = arith.constant 0 : index
    %get3A_11 = vector.load %arg3[%get3A_7, %get3A_8, %get3A_9, %get3A_10] : memref<1x1x1x4000xi32, #tpu.memory_space<vmem>>, vector<1x1x1x4000xi32>
    %get3A_12 = vector.shape_cast %get3A_11 : vector<1x1x1x4000xi32> to vector<1x4000xi32>
    %min3A_13 = arith.constant 511 : i32
    %min3A_14 = vector.broadcast %min3A_13 : i32 to vector<1x4000xi32>
    %min3A_15 = arith.minsi %get3A_12, %min3A_14 : vector<1x4000xi32>
    %reshape3A = vector.shape_cast %min3A_6 : vector<1x4000xi32> to vector<4000x1xi32>
    %reshape3A_16 = vector.shape_cast %min3A_15 : vector<1x4000xi32> to vector<4000x1xi32>
    %iota3A = tpu.iota {dimensions = array<i32: 1>} : vector<4000x512xi32>
    %eq3A = vector.broadcast %reshape3A : vector<4000x1xi32> to vector<4000x512xi32>
    %eq3A_17 = arith.cmpi eq, %iota3A, %eq3A : vector<4000x512xi32>
    %convert_element_type3A = arith.extui %eq3A_17 : vector<4000x512xi1> to vector<4000x512xi32>
    %convert_element_type3A_18 = arith.sitofp %convert_element_type3A : vector<4000x512xi32> to vector<4000x512xf32>
    %convert_element_type3A_19 = arith.truncf %convert_element_type3A_18 : vector<4000x512xf32> to vector<4000x512xbf16>
    %eq3A_20 = vector.broadcast %reshape3A_16 : vector<4000x1xi32> to vector<4000x512xi32>
    %eq3A_21 = arith.cmpi eq, %iota3A, %eq3A_20 : vector<4000x512xi32>
    %convert_element_type3A_22 = arith.extui %eq3A_21 : vector<4000x512xi1> to vector<4000x512xi32>
    %convert_element_type3A_23 = arith.sitofp %convert_element_type3A_22 : vector<4000x512xi32> to vector<4000x512xf32>
    %convert_element_type3A_24 = arith.truncf %convert_element_type3A_23 : vector<4000x512xf32> to vector<4000x512xbf16>
    %get3A_25 = arith.constant 0 : index
    %get3A_26 = arith.constant 0 : index
    %get3A_27 = vector.load %arg4[%get3A_25, %get3A_26] : memref<512x128xbf16, #tpu.memory_space<vmem>>, vector<512x128xbf16>
    %dot_general3A = arith.constant dense<0.000000e+00> : vector<4000x128xf32>
    %dot_general3A_28 = tpu.matmul %convert_element_type3A_19, %get3A_27, %dot_general3A {dimension_numbers = #tpu.dot_dimension_numbers<[1], [0], [0], [1], [0, 0, 1, 1], [], []>, transpose_lhs_hint = false} : vector<4000x512xbf16>, vector<512x128xbf16>, vector<4000x128xf32> -> vector<4000x128xf32>
    %get3A_29 = arith.constant 0 : index
    %get3A_30 = arith.constant 0 : index
    %get3A_31 = vector.load %arg5[%get3A_29, %get3A_30] : memref<512x128xbf16, #tpu.memory_space<vmem>>, vector<512x128xbf16>
    %dot_general3A_32 = arith.constant dense<0.000000e+00> : vector<4000x128xf32>
    %dot_general3A_33 = tpu.matmul %convert_element_type3A_24, %get3A_31, %dot_general3A_32 {dimension_numbers = #tpu.dot_dimension_numbers<[1], [0], [0], [1], [0, 0, 1, 1], [], []>, transpose_lhs_hint = false} : vector<4000x512xbf16>, vector<512x128xbf16>, vector<4000x128xf32> -> vector<4000x128xf32>
    %get3A_34 = arith.constant 0 : index
    %get3A_35 = arith.constant 0 : index
    %get3A_36 = vector.load %arg1[%get3A_34, %get3A_35] : memref<4000x128xf32, #tpu.memory_space<vmem>>, vector<4000x128xf32>
    %add3A = arith.addf %get3A_36, %dot_general3A_28 : vector<4000x128xf32>
    %add3A_37 = arith.addf %add3A, %dot_general3A_33 : vector<4000x128xf32>
    %swap3A = arith.constant 0 : index
    %swap3A_38 = arith.constant 0 : index
    %swap3A_39 = vector.load %arg6[%swap3A, %swap3A_38] : memref<4000x128xf32, #tpu.memory_space<vmem>>, vector<4000x128xf32>
    tpu.vector_store %arg6[%swap3A, %swap3A_38], %add3A_37 {strides = array<i32>} : memref<4000x128xf32, #tpu.memory_space<vmem>>, vector<4000x128xf32>,
    return
  }
  func.func @transform_0(%arg0: i32) -> (i32, i32) {
    %c0_i32 = arith.constant 0 : i32
    %c0_i32_0 = arith.constant 0 : i32
    return %arg0, %c0_i32 : i32, i32
  }
  func.func @transform_1(%arg0: i32) -> (i32, i32, i32, i32) {
    %c0_i32 = arith.constant 0 : i32
    %c0_i32_0 = arith.constant 0 : i32
    %c0_i32_1 = arith.constant 0 : i32
    %c0_i32_2 = arith.constant 0 : i32
    return %c0_i32, %arg0, %c0_i32_0, %c0_i32_1 : i32, i32, i32, i32
  }
  func.func @transform_2(%arg0: i32) -> (i32, i32, i32, i32) {
    %c1_i32 = arith.constant 1 : i32
    %c0_i32 = arith.constant 0 : i32
    %c0_i32_0 = arith.constant 0 : i32
    %c0_i32_1 = arith.constant 0 : i32
    return %c1_i32, %arg0, %c0_i32, %c0_i32_0 : i32, i32, i32, i32
  }
  func.func @transform_3(%arg0: i32) -> (i32, i32) {
    %c0_i32 = arith.constant 0 : i32
    %c0_i32_0 = arith.constant 0 : i32
    %c0_i32_1 = arith.constant 0 : i32
    return %c0_i32, %c0_i32_0 : i32, i32
  }
  func.func @transform_4(%arg0: i32) -> (i32, i32) {
    %c0_i32 = arith.constant 0 : i32
    %c0_i32_0 = arith.constant 0 : i32
    %c0_i32_1 = arith.constant 0 : i32
    return %c0_i32, %c0_i32_0 : i32, i32
  }
  func.func @transform_5(%arg0: i32) -> (i32, i32) {
    %c0_i32 = arith.constant 0 : i32
    %c0_i32_0 = arith.constant 0 : i32
    return %arg0, %c0_i32 : i32, i32
  }
}

</mosaic_0001>

<sc_bundles>
// kernel: kernel.4.cloned.1.call-start
scs
__scs_entry_jumppad:
0x0: {  	(pc) =	sbr.rel $0x88, $3  }
0x1: {  	(tag) =	ssettag $0x0;
	lr =	simm.s32 $0x1  }
0x2: {  	[smem:$0x3F9C] =	sst lr;
	_ =	strace $0xD0000000  }
0x3: {  	_ = 	snop  }
0x4: {  	_ = 	snop  }
0x5: {  	_ = 	snop  }
0x6: {  	_ = 	snop  }
0x7: {  	_ = 	snop  }
__scs_overlays_trampoline_lowered:
0x8: {  	[smem:$0x3FAB] =	sst s0  }
0x9: {  	[smem:$0x3FAC] =	sst s1  }
0xa: {  	[smem:$0x3FAD] =	sst s2  }
0xb: {  	[smem:$0x3FAE] =	sst s3  }
0xc: {  	[smem:$0x3FAF] =	sst s4  }
0xd: {  	[smem:$0x3FB0] =	sst s5  }
0xe: {  	[smem:$0x3FB1] =	sst s6  }
0xf: {  	[smem:$0x3FB2] =	sst s7  }
0x10: {  	[smem:$0x3FB3] =	sst s8  }
0x11: {  	[smem:$0x3FB4] =	sst s9;
	s0 =	simm.s32 @!p0 $0x0  }
0x12: {  	s1 =	sld [smem:$0x3F9A];
	s0 =	simm.s32 @p0 $0x1  }
0x13: {  	[smem:$0x3FB5] =	sst s0;
	s0 =	simm.s32 @!p1 $0x0  }
0x14: {  	s2 =	sld [smem:$0x3F99];
	s0 =	simm.s32 @p1 $0x1  }
0x15: {  	[smem:$0x3FB6] =	sst s0;
	s0 =	simm.s32 @!p2 $0x0  }
0x16: {  	s3 =	sld [smem:$0x3FDB];
	s0 =	simm.s32 @p2 $0x1  }
0x17: {  	s4 =	simm.s32 $0x1BF5;
	[smem:$0x3FB8] =	sst s0  }
0x18: {  	s0 =	sld [smem:$0x3F9B];
	_ =	swait.ge [sflag:s4], $0x0  }
0x19: {  	s7 =	sld [smem:$0x3F9C]  }
0x1a: {  	s8 =	sadd.s32 $0xFFFFE003, lr  }
0x1b: {  	s9 =	sadd.s32 $0xFFFFFEF7, lr;
	s5 =	simm.s32 $0xFFFFFFFF;
	p2 =	slt.u32 s8, $0xFFFFF086  }
0x1c: {  	p1 =	slt.u32 s9, $0xF7A;
	s5 =	simm.s32 @!p2 $0x0  }
0x1d: {  	s5 =	simm.s32 @p1 $0x1;
	p0 =	seq.s32 s7, s2  }
0x1e: {  	s7 =	smul.u32 @!p0 $0xF7A, s2;
	p2 =	seq.s32 @!p0 s5, $0x0  }
0x1f: {  	s9 =	smul.u32 $0xF7A, s1;
	s8 =	simm.s32 @!p0 $0x1BF5;
	p2 =	por !p2, p0  }
0x20: {  	[sflag:s8] =	ssyncset.s32 @!p0 $0xFFFFF086;
	s6 =	sadd.s32 @!p0 s3, s7;
	s7 =	simm.s32 @!p0 $0x108  }
0x21: {  	s3 =	sadd.s32 s3, s9;
	s6 =	sadd.s32 @!p0 $0x88, s6;
	s7 =	simm.s32 @p2 $0x1082  }
0x22: {  	[simem:s7], [sflag:s8] =	dma.local @!p0 [hbm:s6], $0xF7A  }
0x23: {  	s9 =	sor.u32 $0xD0000000, s2;
	s6 =	simm.s32 $0x108;
	_ =	swait.ge @!p0 [sflag:s8], $0x0  }
0x24: {  	s3 =	sadd.s32 $0x88, s3;
	s6 =	simm.s32 @!p1 $0x1082;
	[sflag:s4] =	ssyncset.s32 $0xFFFFF086  }
0x25: {  	[simem:s6], [sflag:s4] =	dma.local [hbm:s3], $0xF7A  }
0x26: {  	[smem:$0x3F9C] =	sst s1;
	(tag) =	ssettag s2;
	_ =	strace s9  }
0x27: {  	s1 =	sld [smem:$0x3FAC]  }
0x28: {  	s2 =	sld [smem:$0x3FAD]  }
0x29: {  	s4 =	sld [smem:$0x3FAF]  }
0x2a: {  	p0 =	seq.s32 s5, $0x0;
	s5 =	sld [smem:$0x3FB0]  }
0x2b: {  	s6 =	sld [smem:$0x3FB1]  }
0x2c: {  	s7 =	sld [smem:$0x3FB2]  }
0x2d: {  	s3 =	simm.s32 $0x108;
	s8 =	sld [smem:$0x3FB3]  }
0x2e: {  	s3 =	simm.s32 @!p0 $0x1082;
	s9 =	sld [smem:$0x3FB4]  }
0x2f: {  	lr =	sadd.s32 s0, s3;
	s0 =	sld [smem:$0x3FAB]  }
0x30: {  	s3 =	sld [smem:$0x3FAE]  }
0x31: {  	[smem:$0x3FB7] =	sst s10  }
0x32: {  	s10 =	sld [smem:$0x3FB5];
	_ =	sdelay $0x3  }
0x33: {  	p0 =	seq.s32 s10, $0x1;
	s10 =	sld [smem:$0x3FB7];
	_ =	sdelay $0x3  }
0x34: {  	[smem:$0x3FB7] =	sst s10  }
0x35: {  	s10 =	sld [smem:$0x3FB6];
	_ =	sdelay $0x3  }
0x36: {  	p1 =	seq.s32 s10, $0x1;
	s10 =	sld [smem:$0x3FB7];
	_ =	sdelay $0x3  }
0x37: {  	[smem:$0x3FB7] =	sst s10  }
0x38: {  	s10 =	sld [smem:$0x3FB8]  }
0x39: {  	_ = 	snop;
	(pc) =	sbr.ind lr, $3  }
0x3a: {  	_ = 	snop  }
0x3b: {  	_ = 	snop  }
0x3c: {  	p2 =	seq.s32 s10, $0x1;
	s10 =	sld [smem:$0x3FB7]  }
0x3d: {  	_ =	shalt  }
0x3e: {  	_ =	shalt  }
0x3f: {  	_ =	shalt  }
0x40: {  	_ =	shalt  }
0x41: {  	_ =	shalt  }
0x42: {  	_ =	shalt  }
0x43: {  	_ =	shalt  }
0x44: {  	_ =	shalt  }
0x45: {  	_ =	shalt  }
0x46: {  	_ =	shalt  }
0x47: {  	_ =	shalt  }
0x48: {  	_ =	shalt  }
0x49: {  	_ =	shalt  }
0x4a: {  	_ =	shalt  }
0x4b: {  	_ =	shalt  }
0x4c: {  	_ =	shalt  }
0x4d: {  	_ =	shalt  }
0x4e: {  	_ =	shalt  }
0x4f: {  	_ =	shalt  }
0x50: {  	_ =	shalt  }
0x51: {  	_ =	shalt  }
0x52: {  	_ =	shalt  }
0x53: {  	_ =	shalt  }
0x54: {  	_ =	shalt  }
0x55: {  	_ =	shalt  }
0x56: {  	_ =	shalt  }
0x57: {  	_ =	shalt  }
0x58: {  	_ =	shalt  }
0x59: {  	_ =	shalt  }
0x5a: {  	_ =	shalt  }
0x5b: {  	_ =	shalt  }
0x5c: {  	_ =	shalt  }
0x5d: {  	_ =	shalt  }
0x5e: {  	_ =	shalt  }
0x5f: {  	_ =	shalt  }
0x60: {  	_ =	shalt  }
0x61: {  	_ =	shalt  }
0x62: {  	_ =	shalt  }
0x63: {  	_ =	shalt  }
0x64: {  	_ =	shalt  }
0x65: {  	_ =	shalt  }
0x66: {  	_ =	shalt  }
0x67: {  	_ =	shalt  }
0x68: {  	_ =	shalt  }
0x69: {  	_ =	shalt  }
0x6a: {  	_ =	shalt  }
0x6b: {  	_ =	shalt  }
0x6c: {  	_ =	shalt  }
0x6d: {  	_ =	shalt  }
0x6e: {  	_ =	shalt  }
0x6f: {  	_ =	shalt  }
0x70: {  	_ =	shalt  }
0x71: {  	_ =	shalt  }
0x72: {  	_ =	shalt  }
0x73: {  	_ =	shalt  }
0x74: {  	_ =	shalt  }
0x75: {  	_ =	shalt  }
0x76: {  	_ =	shalt  }
0x77: {  	_ =	shalt  }
0x78: {  	_ =	shalt  }
0x79: {  	_ =	shalt  }
0x7a: {  	_ =	shalt  }
0x7b: {  	_ =	shalt  }
0x7c: {  	_ =	shalt  }
0x7d: {  	_ =	shalt  }
0x7e: {  	_ =	shalt  }
0x7f: {  	_ =	shalt  }
0x80: {  	_ =	shalt  }
0x81: {  	_ =	shalt  }
0x82: {  	_ =	shalt  }
0x83: {  	_ =	shalt  }
0x84: {  	_ =	shalt  }
0x85: {  	_ =	shalt  }
0x86: {  	_ =	shalt  }
0x87: {  	_ =	shalt  }
.Lfunc_end0:
.L_simem_size_0:
called_computation_lowered:
.L_overlay_start_0:
0x88: {  	s2 =	sld [smem:$0x3FD9]  }
0x89: {  	s3 =	sld [smem:$0x3FFE];
	_ =	sdelay $0x1  }
0x8a: {  	s1 =	srdreg.scid  }
0x8b: {  	s0 =	sand.u32 $0x1, s1  }
0x8c: {  	s17 =	sshll.u32 s0, $0xA;
	s2 =	sadd.s32 s3, s2  }
0x8d: {  	s2 =	sadd.s32 s2, s17  }
0x8e: {  	[smem:$0x3FC3] =	sst s2  }
0x8f: {  	_ = 	snop  }
0x90: {  	s2 =	sld [smem:$0x3FD0];
	(tm) =	ssettm $0x1  }
0x91: {  	s18 =	sld [smem:$0x3FFB];
	_ =	sdelay $0x3  }
0x92: {  	_ =	strace s18  }
0x93: {  	s3 =	sld [smem:$0x3FFC];
	_ =	sdelay $0x3  }
0x94: {  	_ =	strace s3  }
0x95: {  	s3 =	sld [smem:$0x3FFD];
	_ =	sdelay $0x3  }
0x96: {  	_ =	strace s3  }
0x97: {  	_ =	strace $0x8FFFFFFF  }
0x98: {  	s19 =	sld [smem:$0x3FDB];
	_ =	sdelay $0x1  }
0x99: {  	s4 =	simm.s32 $_scs_section_size  }
0x9a: {  	s5 =	simm.s32 $_size__tile_overlayer_lowered;
	s6 =	simm.s32 $_tile_overlayer_lowered  }
0x9b: {  	s22 =	simm.s32 $0x1BFF;
	s21 =	sshll.u32 s6, $0x1;
	s3 =	sadd.s32 s4, s19  }
0x9c: {  	s7 =	simm.s32 $0x0;
	s20 =	sshll.u32 s5, $0x1;
	s5 =	sadd.s32 s21, s3  }
0x9d: {  	[timem:s7], [sflag:s22] =	dma.local [hbm:s5], s20  }
0x9e: {  	_ =	swait.ge [sflag:s22], s20  }
0x9f: {  	s4 =	ssub.s32 $0x0, s20;
	[sflag:s22] =	ssyncset.done $0x0  }
0xa0: {  	[sflag:s22] =	ssyncadd.s32 s4;
	_ =	sdelay $0x1  }
0xa1: {  	s23 =	simm.s32 $0x1B8B  }
0xa2: {  	_ =	swait.ge [sflag:s23], $0x1  }
0xa3: {  	[sflag:s23] =	ssyncset.done $0x0  }
0xa4: {  	s25 =	simm.s32 $0x1B8E;
	s24 =	sld [smem:$0x3FFE];
	[sflag:s23] =	ssyncadd.s32 $0xFFFFFFFF  }
0xa5: {  	s26 =	simm.s32 $execute0_lowered;
	[smem:$0x3FD2] =	sst s25  }
0xa6: {  	s5 =	sshll.u32 s26, $0x1;
	_ =	strace $0x80000046;
	[dreg:$0x1] =	wrdreg $0xFFFFFFFF  }
0xa7: {  	s28 =	simm.s32 $_size_execute0_lowered;
	s3 =	sadd.s32 s3, s5;
	[dreg:$0x0] =	wrdreg $0x0  }
0xa8: {  	s5 =	sshll.u32 s28, $0x1;
	[dreg:$0x2] =	wrdreg s3  }
0xa9: {  	[dreg:$0x3] =	wrdreg s5  }
0xaa: {  	[dreg:$0x4] =	wrdreg $0xC0  }
0xab: {  	_ =	task [dreg:s7], $0x5FFFF  }
0xac: {  	[dreg:$0x1] =	wrdreg $0xFFFFFFFF  }
0xad: {  	[dreg:$0x0] =	wrdreg $0x60  }
0xae: {  	[dreg:$0x2] =	wrdreg s2  }
0xaf: {  	[dreg:$0x3] =	wrdreg s24  }
0xb0: {  	[dreg:$0x4] =	wrdreg $0x0  }
0xb1: {  	[dreg:$0x5] =	wrdreg $0x9  }
0xb2: {  	_ =	task.clear_ibuf [dreg:s7], $0x6FFFF;
	_ =	strace $0x90000046  }
0xb3: {  	s29 =	simm.s32 $0x9;
	_ =	strace $0x80000048  }
0xb4: {  	_ =	swait.ge [sflag:s29], $0x1  }
0xb5: {  	[sflag:s29] =	ssyncadd.s32 $0xFFFFFFFF  }
0xb6: {  	_ =	strace $0x90000048  }
0xb7: {  	_ =	sfence  }
0xb8: {  	s30 =	sld [smem:$0x0];
	_ =	sdelay $0x2  }
0xb9: {  	s31 =	sshll.u32 s1, $0xD;
	s1 =	sshrl.u32 s1, $0x2  }
0xba: {  	s3 =	sand.u32 $0x4000, s31;
	s1 =	sadd.s32 s1, s30  }
0xbb: {  	s0 =	sor.u32 s3, s0;
	s1 =	sshll.u32 s1, $0x11  }
0xbc: {  	s0 =	sor.u32 s1, s0  }
0xbd: {  	s0 =	sadd.s32 $0x8F2B, s0  }
0xbe: {  	[sflag:s0] =	ssyncadd.remote.s32 $0x1  }
0xbf: {  	_ =	sfence.sel $0xFFFF  }
0xc0: {  	[dreg:$0x0] =	wrdreg $0xFFFFFFFF;
	(pc) =	sbr.abs _section_cstart, $3  }
0xc1: {  	[dreg:$0x1] =	wrdreg $0xFFFFFFFF  }
0xc2: {  	_ =	task.clear_ibuf [dreg:s7], $0x2FFFF;
	_ =	strace $0x9FFFFFFF  }
0xc3: {  	(tm) =	ssettm $0x7FFFFFFF  }
tec
execute0_lowered:
.L_overlay_start_1:
0x0: {  	(tag) =	ssettag $0x1  }
0x1: {  	s1 =	rddreg [dreg:$0x0]  }
0x2: {  	s9 =	rddreg [dreg:$0x1]  }
0x3: {  	s0 =	stileid.u32;
	s3 =	srdreg.scid  }
0x4: {  	s2 =	rddreg [dreg:$0x2];
	s18 =	simm.s32 $0x3;
	s19 =	simm.s32 $0x80  }
0x5: {  	s21 =	simm.s32 $0x1C680;
	s22 =	simm.s32 $0x4400;
	s23 =	simm.s32 $0x4480  }
0x6: {  	s24 =	simm.s32 $0x4500;
	s28 =	simm.s32 $0x4600;
	s6 =	smul.u32 $0x3100, s0  }
0x7: {  	s29 =	simm.s32 $0x2;
	s7 =	sand.u32 $0x1, s3;
	s12 =	smul.u32 $0x3E80, s0  }
0x8: {  	s3 =	simm.s32 $0x0;
	s4 =	sadd.s32 $0x600, s9;
	s14 =	smul.u32 $0xFA00, s0  }
0x9: {  	p6 =	sne.s32 s0, $0xF;
	s5 =	smul.u32 $0x3E800, s7;
	[smem:$0x7FF] =	sst s3  }
0xa: {  	s11 =	ssub.s32 $0x2, s7;
	p5 =	seq.s32 s7, $0x1;
	s7 =	sadd.s32 $0x2DF00, s1  }
0xb: {  	_ =	strace $0x80000047;
	s8 =	sadd.s32 s6, s9;
	s26 =	sshrl.u32 s11, $0x1  }
0xc: {  	s6 =	sadd.s32 s1, s6;
	s30 =	sshrl.u32 s14, $0x2;
	s31 =	sadd.s32 s12, s2  }
0xd: {  	p0 =	seq.s32 @p5 s0, $0xF;
	p4 =	seq.s32 @!p5 s0, $0xF;
	s17 =	simm.s32 @!p5 $0x0  }
0xe: {  	s10 =	sadd.s32 s12, s5;
	s5 =	sadd.s32 $0x800, s9;
	s15 =	ssub.s32 s11, s26  }
0xf: {  	s8 =	sadd.s32 $0xA00, s8;
	p1 =	por !p0, !p5;
	p2 =	por p0, !p5  }
0x10: {  	p3 =	por !p4, p5;
	s17 =	simm.s32 @p5 $0x1;
	p4 =	por p4, p5  }
0x11: {  	p5 =	seq.s32 s0, $0xF;
	s25 =	sshrl.u32 s31, $0x3;
	s26 =	simm.s32 $0x4580  }
0x12: {  	s10 =	sshrl.u32 s10, $0x3;
	s12 =	smax.u32 s15, $0x1;
	[smem:$0x7FD] =	sst s17  }
0x13: {  	s17 =	simm.s32 $0x1C700;
	s13 =	sadd.s32 s10, s9;
	s10 =	sadd.s32 s30, s2  }
0x14: {  	s9 =	sadd.s32 $0x2E900, s9;
	s11 =	sadd.s32 $0x62600, s13;
	s13 =	sadd.s32 $0xC80, s10  }
0x15: {  	v0 =	vimm.s32 $0x0;
	v1 =	vimm.s32 $0x1;
	s14 =	sadd.s32 $0x1900, s10;
	s15 =	sadd.s32 $0x2580, s10;
	s16 =	sadd.s32 $0x3200, s10  }
.LBB2_1:
0x16: {  	s30 =	simm.s32 @!p1 $0x0;
	s1 =	simm.s32 @!p1 $0x3E80  }
0x17: {  	[tilespmem:s1], [sflag:$0x1] =	stream.linear.gather @!p1 [hbm4b:s9+s30], $0x17000, $0x38;
	[tilespmem:$0x1D380] =	vst v63  }
0x18: {  	s1 =	simm.s32 @!p1 $0x1AE80  }
0x19: {  	[tilespmem:s1], [sflag:$0x1] =	stream.linear.gather @!p1 [hbm4b:s5+s30], $0x200, $0x38;
	[tilespmem:$0x1D380] =	vst v63  }
0x1a: {  	s31 =	simm.s32 @!p2 $0x3E80;
	s1 =	simm.s32 @!p2 $0x0  }
0x1b: {  	[tilespmem:s31], [sflag:$0x1] =	stream.linear.gather @!p2 [hbm4b:s8+s1], $0x18800, $0x38;
	[tilespmem:$0x1D380] =	vst v63  }
0x1c: {  	s1 =	simm.s32 @!p3 $0x0;
	s31 =	simm.s32 @!p3 $0x3E80  }
0x1d: {  	[tilespmem:s31], [sflag:$0x1] =	stream.linear.gather @!p3 [hbm4b:s7+s1], $0x17000, $0x38;
	[tilespmem:$0x1D380] =	vst v63  }
0x1e: {  	s31 =	simm.s32 @!p3 $0x1AE80  }
0x1f: {  	[tilespmem:s31], [sflag:$0x1] =	stream.linear.gather @!p3 [hbm4b:s4+s1], $0x200, $0x38;
	[tilespmem:$0x1D380] =	vst v63  }
0x20: {  	s20 =	simm.s32 @!p4 $0x3E80;
	s31 =	simm.s32 @!p4 $0x0  }
0x21: {  	[tilespmem:s20], [sflag:$0x1] =	stream.linear.gather @!p4 [hbm4b:s6+s31], $0x18800, $0x38;
	[tilespmem:$0x1D380] =	vst v63  }
0x22: {  	s31 =	sld [smem:$0x7FD];
	_ =	sdelay $0x2  }
0x23: {  	s30 =	simm.s32 @p1 $0x0;
	s1 =	simm.s32 @p3 $0x0;
	p0 =	seq.s32 s31, $0x1  }
0x24: {  	s1 =	smov.u32 @p0 s30  }
.LBB2_2:
0x25: {  	p0 =	seq.s32 s1, $0x31C0  }
.Ltmp0:
0x26: {  	_ = 	snop;
	(pc) =	sbr.rel @!p0 .LBB2_2-.Ltmp0, $3  }
0x27: {  	_ =	sdelay $0x1  }
0x28: {  	s20 =	sshra.s32 s1, $0x2  }
0x29: {  	s1 =	sadd.s32 $0x40, s1;
	[tilespmem:s20+$0x1C700] =	vst v0  }
0x2a: {  	[spmem:s10] =	stream.linear.scatter [tilespmem:s17], [sflag:$0x3], $0xC80, $0x38;
	[tilespmem:$0x1D380] =	vst v63  }
0x2b: {  	_ =	swait.ge [sflag:s18], $0xC80  }
0x2c: {  	[sflag:s18] =	ssyncset.done $0x0  }
0x2d: {  	[sflag:s18] =	ssyncadd.s32 $0xFFFFF380  }
0x2e: {  	[spmem:s13] =	stream.linear.scatter [tilespmem:s17], [sflag:$0x3], $0xC80, $0x38;
	[tilespmem:$0x1D380] =	vst v63  }
0x2f: {  	_ =	swait.ge [sflag:s18], $0xC80  }
0x30: {  	[sflag:s18] =	ssyncset.done $0x0  }
0x31: {  	[sflag:s18] =	ssyncadd.s32 $0xFFFFF380  }
0x32: {  	[spmem:s14] =	stream.linear.scatter [tilespmem:s17], [sflag:$0x3], $0xC80, $0x38;
	[tilespmem:$0x1D380] =	vst v63  }
0x33: {  	_ =	swait.ge [sflag:s18], $0xC80  }
0x34: {  	[sflag:s18] =	ssyncset.done $0x0  }
0x35: {  	[sflag:s18] =	ssyncadd.s32 $0xFFFFF380  }
0x36: {  	[spmem:s15] =	stream.linear.scatter [tilespmem:s17], [sflag:$0x3], $0xC80, $0x38;
	[tilespmem:$0x1D380] =	vst v63  }
0x37: {  	_ =	swait.ge [sflag:s18], $0xC80  }
0x38: {  	[sflag:s18] =	ssyncset.done $0x0  }
0x39: {  	[sflag:s18] =	ssyncadd.s32 $0xFFFFF380  }
0x3a: {  	[spmem:s16] =	stream.linear.scatter [tilespmem:s17], [sflag:$0x3], $0xC80, $0x38;
	[tilespmem:$0x1D380] =	vst v63  }
0x3b: {  	_ =	swait.ge [sflag:s18], $0xC80  }
0x3c: {  	[sflag:s18] =	ssyncset.done $0x0  }
0x3d: {  	[sflag:s18] =	ssyncadd.s32 $0xFFFFF380  }
0x3e: {  	[tilespmem:$0x1C680] =	vst v1  }
0x3f: {  	[tilespmem:$0x1C690] =	vst v1  }
0x40: {  	[tilespmem:$0x1C6A0] =	vst v1  }
0x41: {  	[tilespmem:$0x1C6B0] =	vst v1  }
0x42: {  	[tilespmem:$0x1C6C0] =	vst v1  }
0x43: {  	[tilespmem:$0x1C6D0] =	vst v1  }
0x44: {  	[tilespmem:$0x1C6E0] =	vst v1  }
0x45: {  	[tilespmem:$0x1C6F0] =	vst v1  }
0x46: {  	s1 =	simm.s32 @p5 $0x1;
	[bflag:$0x0] =	sbarrier.arrive $0xFFFF  }
0x47: {  	_ =	swait.ge @p5 [sflag:s1], $0x17000  }
0x48: {  	[sflag:s1] =	ssyncset.done @p5 $0x0  }
0x49: {  	[sflag:s1] =	ssyncadd.s32 @p5 $0xFFFE9000  }
0x4a: {  	_ =	swait.ge @p5 [sflag:s1], $0x200  }
0x4b: {  	[sflag:s1] =	ssyncset.done @p5 $0x0  }
0x4c: {  	s20 =	simm.s32 @!p5 $0x1;
	[sflag:s1] =	ssyncadd.s32 @p5 $0xFFFFFE00  }
0x4d: {  	_ =	swait.ge @!p5 [sflag:s20], $0x18800  }
0x4e: {  	[sflag:s20] =	ssyncset.done @!p5 $0x0  }
0x4f: {  	[sflag:s20] =	ssyncadd.s32 @!p5 $0xFFFE7800;
	s20 =	simm.s32 $0x3E80  }
0x50: {  	[spmem:s2] =	stream.indirect.scatter.add.s32 [tilespmem:s21], [sflag:$0x2], $0x1, s20, s19, $0xb8;
	[tilespmem:$0x1D380] =	vst v63  }
0x51: {  	s20 =	simm.s32 $0x3F00  }
0x52: {  	[spmem:s2] =	stream.indirect.scatter.add.s32 [tilespmem:s21], [sflag:$0x2], $0x1, s20, s19, $0xb8;
	[tilespmem:$0x1D380] =	vst v63  }
0x53: {  	s20 =	simm.s32 $0x3F80  }
0x54: {  	[spmem:s2] =	stream.indirect.scatter.add.s32 [tilespmem:s21], [sflag:$0x2], $0x1, s20, s19, $0xb8;
	[tilespmem:$0x1D380] =	vst v63  }
0x55: {  	s20 =	simm.s32 $0x4000  }
0x56: {  	[spmem:s2] =	stream.indirect.scatter.add.s32 [tilespmem:s21], [sflag:$0x2], $0x1, s20, s19, $0xb8;
	[tilespmem:$0x1D380] =	vst v63  }
0x57: {  	s20 =	simm.s32 $0x4080  }
0x58: {  	[spmem:s2] =	stream.indirect.scatter.add.s32 [tilespmem:s21], [sflag:$0x2], $0x1, s20, s19, $0xb8;
	[tilespmem:$0x1D380] =	vst v63  }
0x59: {  	s20 =	simm.s32 $0x4100  }
0x5a: {  	[spmem:s2] =	stream.indirect.scatter.add.s32 [tilespmem:s21], [sflag:$0x2], $0x1, s20, s19, $0xb8;
	[tilespmem:$0x1D380] =	vst v63  }
0x5b: {  	s20 =	simm.s32 $0x4180  }
0x5c: {  	[spmem:s2] =	stream.indirect.scatter.add.s32 [tilespmem:s21], [sflag:$0x2], $0x1, s20, s19, $0xb8;
	[tilespmem:$0x1D380] =	vst v63  }
0x5d: {  	s20 =	simm.s32 $0x4200  }
0x5e: {  	[spmem:s2] =	stream.indirect.scatter.add.s32 [tilespmem:s21], [sflag:$0x2], $0x1, s20, s19, $0xb8;
	[tilespmem:$0x1D380] =	vst v63  }
0x5f: {  	s20 =	simm.s32 $0x4280  }
0x60: {  	[spmem:s2] =	stream.indirect.scatter.add.s32 [tilespmem:s21], [sflag:$0x2], $0x1, s20, s19, $0xb8;
	[tilespmem:$0x1D380] =	vst v63  }
0x61: {  	s20 =	simm.s32 $0x4300  }
0x62: {  	[spmem:s2] =	stream.indirect.scatter.add.s32 [tilespmem:s21], [sflag:$0x2], $0x1, s20, s19, $0xb8;
	[tilespmem:$0x1D380] =	vst v63  }
0x63: {  	s20 =	simm.s32 $0x4380  }
0x64: {  	[spmem:s2] =	stream.indirect.scatter.add.s32 [tilespmem:s21], [sflag:$0x2], $0x1, s20, s19, $0xb8;
	[tilespmem:$0x1D380] =	vst v63  }
0x65: {  	_ = 	snop  }
0x66: {  	[spmem:s2] =	stream.indirect.scatter.add.s32 [tilespmem:s21], [sflag:$0x2], $0x1, s22, s19, $0xb8;
	[tilespmem:$0x1D380] =	vst v63  }
0x67: {  	_ = 	snop  }
0x68: {  	[spmem:s2] =	stream.indirect.scatter.add.s32 [tilespmem:s21], [sflag:$0x2], $0x1, s23, s19, $0xb8;
	[tilespmem:$0x1D380] =	vst v63  }
0x69: {  	_ = 	snop  }
0x6a: {  	[spmem:s2] =	stream.indirect.scatter.add.s32 [tilespmem:s21], [sflag:$0x2], $0x1, s24, s19, $0xb8;
	[tilespmem:$0x1D380] =	vst v63  }
0x6b: {  	_ = 	snop  }
0x6c: {  	[spmem:s2] =	stream.indirect.scatter.add.s32 [tilespmem:s21], [sflag:$0x2], $0x1, s26, s19, $0xb8;
	[tilespmem:$0x1D380] =	vst v63  }
0x6d: {  	_ = 	snop  }
0x6e: {  	[spmem:s2] =	stream.indirect.scatter.add.s32 [tilespmem:s21], [sflag:$0x2], $0x1, s28, s19, $0xb8;
	[tilespmem:$0x1D380] =	vst v63  }
0x6f: {  	_ =	swait.ge [sflag:s29], $0x80  }
0x70: {  	[sflag:s29] =	ssyncset.done $0x0  }
0x71: {  	[sflag:s29] =	ssyncadd.s32 $0xFFFFFF80  }
0x72: {  	_ =	swait.ge [sflag:s29], $0x80  }
0x73: {  	[sflag:s29] =	ssyncset.done $0x0  }
0x74: {  	[sflag:s29] =	ssyncadd.s32 $0xFFFFFF80  }
0x75: {  	_ =	swait.ge [sflag:s29], $0x80  }
0x76: {  	[sflag:s29] =	ssyncset.done $0x0  }
0x77: {  	[sflag:s29] =	ssyncadd.s32 $0xFFFFFF80  }
0x78: {  	_ =	swait.ge [sflag:s29], $0x80  }
0x79: {  	[sflag:s29] =	ssyncset.done $0x0  }
0x7a: {  	[sflag:s29] =	ssyncadd.s32 $0xFFFFFF80  }
0x7b: {  	_ =	swait.ge [sflag:s29], $0x80  }
0x7c: {  	[sflag:s29] =	ssyncset.done $0x0  }
0x7d: {  	[sflag:s29] =	ssyncadd.s32 $0xFFFFFF80  }
0x7e: {  	_ =	swait.ge [sflag:s29], $0x80  }
0x7f: {  	[sflag:s29] =	ssyncset.done $0x0  }
0x80: {  	[sflag:s29] =	ssyncadd.s32 $0xFFFFFF80  }
0x81: {  	_ =	swait.ge [sflag:s29], $0x80  }
0x82: {  	[sflag:s29] =	ssyncset.done $0x0  }
0x83: {  	[sflag:s29] =	ssyncadd.s32 $0xFFFFFF80  }
0x84: {  	_ =	swait.ge [sflag:s29], $0x80  }
0x85: {  	[sflag:s29] =	ssyncset.done $0x0  }
0x86: {  	[sflag:s29] =	ssyncadd.s32 $0xFFFFFF80  }
0x87: {  	_ =	swait.ge [sflag:s29], $0x80  }
0x88: {  	[sflag:s29] =	ssyncset.done $0x0  }
0x89: {  	[sflag:s29] =	ssyncadd.s32 $0xFFFFFF80  }
0x8a: {  	_ =	swait.ge [sflag:s29], $0x80  }
0x8b: {  	[sflag:s29] =	ssyncset.done $0x0  }
0x8c: {  	[sflag:s29] =	ssyncadd.s32 $0xFFFFFF80  }
0x8d: {  	_ =	swait.ge [sflag:s29], $0x80  }
0x8e: {  	[sflag:s29] =	ssyncset.done $0x0  }
0x8f: {  	[sflag:s29] =	ssyncadd.s32 $0xFFFFFF80  }
0x90: {  	_ =	swait.ge [sflag:s29], $0x80  }
0x91: {  	[sflag:s29] =	ssyncset.done $0x0  }
0x92: {  	[sflag:s29] =	ssyncadd.s32 $0xFFFFFF80  }
0x93: {  	_ =	swait.ge [sflag:s29], $0x80  }
0x94: {  	[sflag:s29] =	ssyncset.done $0x0  }
0x95: {  	[sflag:s29] =	ssyncadd.s32 $0xFFFFFF80  }
0x96: {  	_ =	swait.ge [sflag:s29], $0x80  }
0x97: {  	[sflag:s29] =	ssyncset.done $0x0  }
0x98: {  	[sflag:s29] =	ssyncadd.s32 $0xFFFFFF80  }
0x99: {  	_ =	swait.ge [sflag:s29], $0x80  }
0x9a: {  	[sflag:s29] =	ssyncset.done $0x0  }
0x9b: {  	[sflag:s29] =	ssyncadd.s32 $0xFFFFFF80  }
0x9c: {  	_ =	swait.ge [sflag:s29], $0x80  }
0x9d: {  	[sflag:s29] =	ssyncset.done $0x0  }
0x9e: {  	s20 =	simm.s32 $0x4680;
	[sflag:s29] =	ssyncadd.s32 $0xFFFFFF80  }
0x9f: {  	[spmem:s2] =	stream.indirect.scatter.add.s32 [tilespmem:s21], [sflag:$0x2], $0x1, s20, s19, $0xb8;
	[tilespmem:$0x1D380] =	vst v63  }
0xa0: {  	s20 =	simm.s32 $0x4700  }
0xa1: {  	[spmem:s2] =	stream.indirect.scatter.add.s32 [tilespmem:s21], [sflag:$0x2], $0x1, s20, s19, $0xb8;
	[tilespmem:$0x1D380] =	vst v63  }
0xa2: {  	s20 =	simm.s32 $0x4780  }
0xa3: {  	[spmem:s2] =	stream.indirect.scatter.add.s32 [tilespmem:s21], [sflag:$0x2], $0x1, s20, s19, $0xb8;
	[tilespmem:$0x1D380] =	vst v63  }
0xa4: {  	s20 =	simm.s32 $0x4800  }
0xa5: {  	[spmem:s2] =	stream.indirect.scatter.add.s32 [tilespmem:s21], [sflag:$0x2], $0x1, s20, s19, $0xb8;
	[tilespmem:$0x1D380] =	vst v63  }
0xa6: {  	s20 =	simm.s32 $0x4880  }
0xa7: {  	[spmem:s2] =	stream.indirect.scatter.add.s32 [tilespmem:s21], [sflag:$0x2], $0x1, s20, s19, $0xb8;
	[tilespmem:$0x1D380] =	vst v63  }
0xa8: {  	s20 =	simm.s32 $0x4900  }
0xa9: {  	[spmem:s2] =	stream.indirect.scatter.add.s32 [tilespmem:s21], [sflag:$0x2], $0x1, s20, s19, $0xb8;
	[tilespmem:$0x1D380] =	vst v63  }
0xaa: {  	s20 =	simm.s32 $0x4980  }
0xab: {  	[spmem:s2] =	stream.indirect.scatter.add.s32 [tilespmem:s21], [sflag:$0x2], $0x1, s20, s19, $0xb8;
	[tilespmem:$0x1D380] =	vst v63  }
0xac: {  	s20 =	simm.s32 $0x4A00  }
0xad: {  	[spmem:s2] =	stream.indirect.scatter.add.s32 [tilespmem:s21], [sflag:$0x2], $0x1, s20, s19, $0xb8;
	[tilespmem:$0x1D380] =	vst v63  }
0xae: {  	s1 =	simm.s32 @!p5 $0x31;
	s20 =	simm.s32 $0x4A80  }
0xaf: {  	[spmem:s2] =	stream.indirect.scatter.add.s32 [tilespmem:s21], [sflag:$0x2], $0x1, s20, s19, $0xb8;
	[tilespmem:$0x1D380] =	vst v63  }
0xb0: {  	s1 =	simm.s32 @p5 $0x2E;
	s20 =	simm.s32 $0x4B00  }
0xb1: {  	[spmem:s2] =	stream.indirect.scatter.add.s32 [tilespmem:s21], [sflag:$0x2], $0x1, s20, s19, $0xb8;
	[tilespmem:$0x1D380] =	vst v63  }
0xb2: {  	s1 =	sshll.u32 s1, $0xD;
	s20 =	simm.s32 $0x4B80  }
0xb3: {  	[spmem:s2] =	stream.indirect.scatter.add.s32 [tilespmem:s21], [sflag:$0x2], $0x1, s20, s19, $0xb8;
	[tilespmem:$0x1D380] =	vst v63  }
0xb4: {  	s30 =	sadd.s32 $0xFFFFE000, s1;
	s20 =	simm.s32 $0x4C00  }
0xb5: {  	[spmem:s2] =	stream.indirect.scatter.add.s32 [tilespmem:s21], [sflag:$0x2], $0x1, s20, s19, $0xb8;
	[tilespmem:$0x1D380] =	vst v63  }
0xb6: {  	p0 =	sne.s32 s30, $0x2000;
	s20 =	simm.s32 $0x4C80  }
0xb7: {  	[spmem:s2] =	stream.indirect.scatter.add.s32 [tilespmem:s21], [sflag:$0x2], $0x1, s20, s19, $0xb8;
	[tilespmem:$0x1D380] =	vst v63  }
.Ltmp1:
0xb8: {  	_ = 	snop;
	(pc) =	sbr.rel @!p0 .LBB2_5-.Ltmp1, $4  }
0xb9: {  	s20 =	simm.s32 $0x4D00  }
0xba: {  	[spmem:s2] =	stream.indirect.scatter.add.s32 [tilespmem:s21], [sflag:$0x2], $0x1, s20, s19, $0xb8;
	[tilespmem:$0x1D380] =	vst v63  }
0xbb: {  	s31 =	simm.s32 $0x2000;
	s1 =	simm.s32 $0x4E00;
	s20 =	simm.s32 $0x4D80  }
0xbc: {  	[spmem:s2] =	stream.indirect.scatter.add.s32 [tilespmem:s21], [sflag:$0x2], $0x1, s20, s19, $0xb8;
	[tilespmem:$0x1D380] =	vst v63  }
.LBB2_4:
0xbd: {  	[spmem:s2] =	stream.indirect.scatter.add.s32 [tilespmem:s21], [sflag:$0x2], $0x1, s1, s19, $0xb8;
	[tilespmem:$0x1D380] =	vst v63  }
0xbe: {  	s1 =	smov.u32 s31;
	s31 =	sadd.s32 $0x2000, s31;
	_ =	swait.ge [sflag:s29], $0x80  }
0xbf: {  	p0 =	sne.s32 s30, s31;
	[sflag:s29] =	ssyncset.done $0x0  }
0xc0: {  	[sflag:s29] =	ssyncadd.s32 $0xFFFFFF80  }
0xc1: {  	_ =	swait.ge [sflag:s29], $0x80  }
0xc2: {  	[sflag:s29] =	ssyncset.done $0x0  }
0xc3: {  	[sflag:s29] =	ssyncadd.s32 $0xFFFFFF80  }
0xc4: {  	_ =	swait.ge [sflag:s29], $0x80  }
0xc5: {  	[sflag:s29] =	ssyncset.done $0x0  }
0xc6: {  	[sflag:s29] =	ssyncadd.s32 $0xFFFFFF80  }
0xc7: {  	_ =	swait.ge [sflag:s29], $0x80  }
0xc8: {  	[sflag:s29] =	ssyncset.done $0x0  }
0xc9: {  	[sflag:s29] =	ssyncadd.s32 $0xFFFFFF80  }
0xca: {  	_ =	swait.ge [sflag:s29], $0x80  }
0xcb: {  	[sflag:s29] =	ssyncset.done $0x0  }
0xcc: {  	[sflag:s29] =	ssyncadd.s32 $0xFFFFFF80  }
0xcd: {  	_ =	swait.ge [sflag:s29], $0x80  }
0xce: {  	[sflag:s29] =	ssyncset.done $0x0  }
0xcf: {  	[sflag:s29] =	ssyncadd.s32 $0xFFFFFF80  }
0xd0: {  	_ =	swait.ge [sflag:s29], $0x80  }
0xd1: {  	[sflag:s29] =	ssyncset.done $0x0  }
0xd2: {  	[sflag:s29] =	ssyncadd.s32 $0xFFFFFF80  }
0xd3: {  	_ =	swait.ge [sflag:s29], $0x80  }
0xd4: {  	[sflag:s29] =	ssyncset.done $0x0  }
0xd5: {  	[sflag:s29] =	ssyncadd.s32 $0xFFFFFF80  }
0xd6: {  	_ =	swait.ge [sflag:s29], $0x80  }
0xd7: {  	[sflag:s29] =	ssyncset.done $0x0  }
0xd8: {  	[sflag:s29] =	ssyncadd.s32 $0xFFFFFF80  }
0xd9: {  	_ =	swait.ge [sflag:s29], $0x80  }
0xda: {  	[sflag:s29] =	ssyncset.done $0x0  }
0xdb: {  	[sflag:s29] =	ssyncadd.s32 $0xFFFFFF80  }
0xdc: {  	_ =	swait.ge [sflag:s29], $0x80  }
0xdd: {  	[sflag:s29] =	ssyncset.done $0x0  }
0xde: {  	[sflag:s29] =	ssyncadd.s32 $0xFFFFFF80  }
0xdf: {  	_ =	swait.ge [sflag:s29], $0x80  }
0xe0: {  	[sflag:s29] =	ssyncset.done $0x0  }
0xe1: {  	[sflag:s29] =	ssyncadd.s32 $0xFFFFFF80  }
0xe2: {  	_ =	swait.ge [sflag:s29], $0x80  }
0xe3: {  	[sflag:s29] =	ssyncset.done $0x0  }
0xe4: {  	[sflag:s29] =	ssyncadd.s32 $0xFFFFFF80  }
0xe5: {  	_ =	swait.ge [sflag:s29], $0x80  }
0xe6: {  	[sflag:s29] =	ssyncset.done $0x0  }
0xe7: {  	[sflag:s29] =	ssyncadd.s32 $0xFFFFFF80  }
0xe8: {  	_ =	swait.ge [sflag:s29], $0x80  }
0xe9: {  	[sflag:s29] =	ssyncset.done $0x0  }
0xea: {  	[sflag:s29] =	ssyncadd.s32 $0xFFFFFF80  }
0xeb: {  	_ =	swait.ge [sflag:s29], $0x80  }
0xec: {  	s1 =	sshra.s32 s1, $0x2;
	[sflag:s29] =	ssyncset.done $0x0  }
0xed: {  	s20 =	sadd.s32 $0x4680, s1;
	[sflag:s29] =	ssyncadd.s32 $0xFFFFFF80  }
0xee: {  	[spmem:s2] =	stream.indirect.scatter.add.s32 [tilespmem:s21], [sflag:$0x2], $0x1, s20, s19, $0xb8;
	[tilespmem:$0x1D380] =	vst v63  }
0xef: {  	s20 =	sadd.s32 $0x4700, s1  }
0xf0: {  	[spmem:s2] =	stream.indirect.scatter.add.s32 [tilespmem:s21], [sflag:$0x2], $0x1, s20, s19, $0xb8;
	[tilespmem:$0x1D380] =	vst v63  }
0xf1: {  	s20 =	sadd.s32 $0x4780, s1  }
0xf2: {  	[spmem:s2] =	stream.indirect.scatter.add.s32 [tilespmem:s21], [sflag:$0x2], $0x1, s20, s19, $0xb8;
	[tilespmem:$0x1D380] =	vst v63  }
0xf3: {  	s20 =	sadd.s32 $0x4800, s1  }
0xf4: {  	[spmem:s2] =	stream.indirect.scatter.add.s32 [tilespmem:s21], [sflag:$0x2], $0x1, s20, s19, $0xb8;
	[tilespmem:$0x1D380] =	vst v63  }
0xf5: {  	s20 =	sadd.s32 $0x4880, s1  }
0xf6: {  	[spmem:s2] =	stream.indirect.scatter.add.s32 [tilespmem:s21], [sflag:$0x2], $0x1, s20, s19, $0xb8;
	[tilespmem:$0x1D380] =	vst v63  }
0xf7: {  	s20 =	sadd.s32 $0x4900, s1  }
0xf8: {  	[spmem:s2] =	stream.indirect.scatter.add.s32 [tilespmem:s21], [sflag:$0x2], $0x1, s20, s19, $0xb8;
	[tilespmem:$0x1D380] =	vst v63  }
0xf9: {  	s20 =	sadd.s32 $0x4980, s1  }
0xfa: {  	[spmem:s2] =	stream.indirect.scatter.add.s32 [tilespmem:s21], [sflag:$0x2], $0x1, s20, s19, $0xb8;
	[tilespmem:$0x1D380] =	vst v63  }
0xfb: {  	s20 =	sadd.s32 $0x4A00, s1  }
0xfc: {  	[spmem:s2] =	stream.indirect.scatter.add.s32 [tilespmem:s21], [sflag:$0x2], $0x1, s20, s19, $0xb8;
	[tilespmem:$0x1D380] =	vst v63  }
0xfd: {  	s20 =	sadd.s32 $0x4A80, s1  }
0xfe: {  	[spmem:s2] =	stream.indirect.scatter.add.s32 [tilespmem:s21], [sflag:$0x2], $0x1, s20, s19, $0xb8;
	[tilespmem:$0x1D380] =	vst v63  }
0xff: {  	s20 =	sadd.s32 $0x4B00, s1  }
0x100: {  	[spmem:s2] =	stream.indirect.scatter.add.s32 [tilespmem:s21], [sflag:$0x2], $0x1, s20, s19, $0xb8;
	[tilespmem:$0x1D380] =	vst v63  }
0x101: {  	s20 =	sadd.s32 $0x4B80, s1  }
0x102: {  	[spmem:s2] =	stream.indirect.scatter.add.s32 [tilespmem:s21], [sflag:$0x2], $0x1, s20, s19, $0xb8;
	[tilespmem:$0x1D380] =	vst v63  }
0x103: {  	s20 =	sadd.s32 $0x4C00, s1  }
0x104: {  	[spmem:s2] =	stream.indirect.scatter.add.s32 [tilespmem:s21], [sflag:$0x2], $0x1, s20, s19, $0xb8;
	[tilespmem:$0x1D380] =	vst v63  }
0x105: {  	s20 =	sadd.s32 $0x4C80, s1  }
0x106: {  	[spmem:s2] =	stream.indirect.scatter.add.s32 [tilespmem:s21], [sflag:$0x2], $0x1, s20, s19, $0xb8;
	[tilespmem:$0x1D380] =	vst v63  }
.Ltmp2:
0x107: {  	s20 =	sadd.s32 $0x4D00, s1;
	(pc) =	sbr.rel @p0 .LBB2_4-.Ltmp2, $4  }
0x108: {  	[spmem:s2] =	stream.indirect.scatter.add.s32 [tilespmem:s21], [sflag:$0x2], $0x1, s20, s19, $0xb8;
	[tilespmem:$0x1D380] =	vst v63  }
0x109: {  	s20 =	sadd.s32 $0x4D80, s1  }
0x10a: {  	[spmem:s2] =	stream.indirect.scatter.add.s32 [tilespmem:s21], [sflag:$0x2], $0x1, s20, s19, $0xb8;
	[tilespmem:$0x1D380] =	vst v63  }
0x10b: {  	s1 =	sadd.s32 $0x4E00, s1  }
.LBB2_5:
0x10c: {  	[spmem:s2] =	stream.indirect.scatter.add.s32 [tilespmem:s21], [sflag:$0x2], $0x1, s1, s19, $0xb8;
	[tilespmem:$0x1D380] =	vst v63  }
0x10d: {  	_ =	swait.ge [sflag:s29], $0x80  }
0x10e: {  	[sflag:s29] =	ssyncset.done $0x0  }
0x10f: {  	[sflag:s29] =	ssyncadd.s32 $0xFFFFFF80  }
0x110: {  	_ =	swait.ge [sflag:s29], $0x80  }
0x111: {  	[sflag:s29] =	ssyncset.done $0x0  }
0x112: {  	[sflag:s29] =	ssyncadd.s32 $0xFFFFFF80  }
0x113: {  	_ =	swait.ge [sflag:s29], $0x80  }
0x114: {  	[sflag:s29] =	ssyncset.done $0x0  }
0x115: {  	[sflag:s29] =	ssyncadd.s32 $0xFFFFFF80  }
0x116: {  	_ =	swait.ge [sflag:s29], $0x80  }
0x117: {  	[sflag:s29] =	ssyncset.done $0x0  }
0x118: {  	[sflag:s29] =	ssyncadd.s32 $0xFFFFFF80  }
0x119: {  	_ =	swait.ge [sflag:s29], $0x80  }
0x11a: {  	[sflag:s29] =	ssyncset.done $0x0  }
0x11b: {  	[sflag:s29] =	ssyncadd.s32 $0xFFFFFF80  }
0x11c: {  	_ =	swait.ge [sflag:s29], $0x80  }
0x11d: {  	[sflag:s29] =	ssyncset.done $0x0  }
0x11e: {  	[sflag:s29] =	ssyncadd.s32 $0xFFFFFF80  }
0x11f: {  	_ =	swait.ge [sflag:s29], $0x80  }
0x120: {  	[sflag:s29] =	ssyncset.done $0x0  }
0x121: {  	[sflag:s29] =	ssyncadd.s32 $0xFFFFFF80  }
0x122: {  	_ =	swait.ge [sflag:s29], $0x80  }
0x123: {  	[sflag:s29] =	ssyncset.done $0x0  }
0x124: {  	[sflag:s29] =	ssyncadd.s32 $0xFFFFFF80  }
0x125: {  	_ =	swait.ge [sflag:s29], $0x80  }
0x126: {  	[sflag:s29] =	ssyncset.done $0x0  }
0x127: {  	[sflag:s29] =	ssyncadd.s32 $0xFFFFFF80  }
0x128: {  	_ =	swait.ge [sflag:s29], $0x80  }
0x129: {  	[sflag:s29] =	ssyncset.done $0x0  }
0x12a: {  	[sflag:s29] =	ssyncadd.s32 $0xFFFFFF80  }
0x12b: {  	_ =	swait.ge [sflag:s29], $0x80  }
0x12c: {  	[sflag:s29] =	ssyncset.done $0x0  }
0x12d: {  	[sflag:s29] =	ssyncadd.s32 $0xFFFFFF80  }
0x12e: {  	_ =	swait.ge [sflag:s29], $0x80  }
0x12f: {  	[sflag:s29] =	ssyncset.done $0x0  }
0x130: {  	[sflag:s29] =	ssyncadd.s32 $0xFFFFFF80  }
0x131: {  	_ =	swait.ge [sflag:s29], $0x80  }
0x132: {  	[sflag:s29] =	ssyncset.done $0x0  }
0x133: {  	[sflag:s29] =	ssyncadd.s32 $0xFFFFFF80  }
0x134: {  	_ =	swait.ge [sflag:s29], $0x80  }
0x135: {  	[sflag:s29] =	ssyncset.done $0x0  }
0x136: {  	[sflag:s29] =	ssyncadd.s32 $0xFFFFFF80  }
0x137: {  	_ =	swait.ge [sflag:s29], $0x80  }
0x138: {  	[sflag:s29] =	ssyncset.done $0x0  }
0x139: {  	[sflag:s29] =	ssyncadd.s32 $0xFFFFFF80  }
0x13a: {  	_ =	swait.ge [sflag:s29], $0x80  }
0x13b: {  	s1 =	simm.s32 @!p6 $0x80;
	[sflag:s29] =	ssyncset.done $0x0  }
0x13c: {  	s20 =	simm.s32 @!p6 $0x1AE80;
	s30 =	simm.s32 @!p6 $0x1C680;
	[sflag:s29] =	ssyncadd.s32 $0xFFFFFF80  }
0x13d: {  	[spmem:s2] =	stream.indirect.scatter.add.s32 @!p6 [tilespmem:s30], [sflag:$0x2], $0x1, s20, s1, $0xb8;
	[tilespmem:$0x1D380] =	vst v63  }
0x13e: {  	s20 =	simm.s32 @!p6 $0x1AF00  }
0x13f: {  	[spmem:s2] =	stream.indirect.scatter.add.s32 @!p6 [tilespmem:s30], [sflag:$0x2], $0x1, s20, s1, $0xb8;
	[tilespmem:$0x1D380] =	vst v63  }
0x140: {  	s20 =	simm.s32 @!p6 $0x1AF80  }
0x141: {  	[spmem:s2] =	stream.indirect.scatter.add.s32 @!p6 [tilespmem:s30], [sflag:$0x2], $0x1, s20, s1, $0xb8;
	[tilespmem:$0x1D380] =	vst v63  }
0x142: {  	s20 =	simm.s32 @!p6 $0x1B000  }
0x143: {  	[spmem:s2] =	stream.indirect.scatter.add.s32 @!p6 [tilespmem:s30], [sflag:$0x2], $0x1, s20, s1, $0xb8;
	[tilespmem:$0x1D380] =	vst v63  }
0x144: {  	s1 =	simm.s32 @!p6 $0x2  }
0x145: {  	_ =	swait.ge @!p6 [sflag:s1], $0x80  }
0x146: {  	[sflag:s1] =	ssyncset.done @!p6 $0x0  }
0x147: {  	[sflag:s1] =	ssyncadd.s32 @!p6 $0xFFFFFF80  }
0x148: {  	_ =	swait.ge @!p6 [sflag:s1], $0x80  }
0x149: {  	[sflag:s1] =	ssyncset.done @!p6 $0x0  }
0x14a: {  	[sflag:s1] =	ssyncadd.s32 @!p6 $0xFFFFFF80  }
0x14b: {  	_ =	swait.ge @!p6 [sflag:s1], $0x80  }
0x14c: {  	[sflag:s1] =	ssyncset.done @!p6 $0x0  }
0x14d: {  	[sflag:s1] =	ssyncadd.s32 @!p6 $0xFFFFFF80  }
0x14e: {  	_ =	swait.ge @!p6 [sflag:s1], $0x80  }
0x14f: {  	s3 =	sadd.s32 $0x1, s3;
	[sflag:s1] =	ssyncset.done @!p6 $0x0  }
0x150: {  	s31 =	sshll.u32 s0, $0x6;
	p0 =	sne.s32 s3, s12;
	[sflag:s1] =	ssyncadd.s32 @!p6 $0xFFFFFF80  }
.Ltmp3:
0x151: {  	s1 =	sor.u32 $0x1C03, s31;
	[bflag:$0x0] =	sbarrier.arrive $0xFFFF;
	(pc) =	sbr.rel @p0 .LBB2_1-.Ltmp3, $4  }
0x152: {  	[hbm:s11], [sflag:s1] =	dma.local [spmem:s25], $0x7D0  }
0x153: {  	_ =	swait.ge [sflag:s18], $0x7D0  }
0x154: {  	[sflag:s18] =	ssyncset.done $0x0  }
0x155: {  	[sflag:s18] =	ssyncadd.s32 $0xFFFFF830  }
0x156: {  	_ =	sfence.sel $0x180000  }
0x157: {  	[bflag:$0x0] =	sbarrier.arrive $0xFFFF  }
0x158: {  	_ =	strace $0x90000047  }
0x159: {  	[bflag:$0x2] =	sbarrier.arrive $0xFFFF  }
0x15a: {  	p0 =	sne.s32 s0, $0x0;
	s0 =	rddreg [dreg:$0x3]  }
0x15b: {  	s0 =	sadd.s32 @!p0 $0x100000, s0  }
0x15c: {  	[sflag:s0] =	ssyncadd.tile.s32 @!p0 $0x1;
	_ =	shalt  }
.Lfunc_end2:
_tile_overlayer_lowered:
.L_overlay_start_2:
0x15d: {  	(tag) =	ssettag $0x2  }
0x15e: {  	s0 =	rddreg [dreg:$0x0];
	s2 =	stileid.u32  }
0x15f: {  	s1 =	rddreg [dreg:$0x1];
	p0 =	sne.s32 s2, $0x0  }
0x160: {  	s3 =	rddreg [dreg:$0x2];
	[bflag:$0x3] =	sbarrier.arrive $0xFFFF;
	s2 =	simm.s32 @!p0 $0x1C03  }
0x161: {  	[timem:s3], [sflag:s2] =	dma.local @!p0 [hbm:s0], s1  }
0x162: {  	s0 =	simm.s32 @!p0 $0x3  }
0x163: {  	_ =	swait.ge @!p0 [sflag:s0], s1  }
0x164: {  	s1 =	ssub.s32 @!p0 $0x0, s1;
	[sflag:s0] =	ssyncset.done @!p0 $0x0  }
0x165: {  	[sflag:s0] =	ssyncadd.s32 @!p0 s1  }
0x166: {  	[bflag:$0x3] =	sbarrier.arrive $0xFFFF  }
0x167: {  	_ =	shalt  }

</sc_bundles>
